<compile_context>
chip_gen: v7x
topology: tpu7x:2x2x1
jax: 0.10.2.dev20260603
libtpu: 0.0.44.dev20260713+nightly
codegen_flags: <defaults>
</compile_context>

<pallas_src>
import functools

import jax
import jax.numpy as jnp
from jax import lax
from jax.experimental import pallas as pl
from jax.experimental.pallas import tpu as pltpu
from jax.experimental.pallas import tpu_sc as plsc

V = 32000; D = 1024; H = 16; DH = 64; DFF = 4096; E = 8; TOPK = 2
DL = 256; ROPE = 64; EPS = 1e-6; S = 2048
TM = 128
MT = S // TM
NP = S * TOPK
TMG = 512
PT = NP // TMG
NWU = PT + E - 1
NKT = 4
DFT = DFF // NKT
VT = 640
NV = V // VT


def _sc_gather(table, idx, n_rows, d):
    info = plsc.get_sparse_core_info()
    nc, ns = info.num_cores, info.num_subcores
    nw = nc * ns
    per_w = n_rows // nw
    chunk = min(per_w, 64)
    nch = per_w // chunk
    mesh = plsc.VectorSubcoreMesh(core_axis_name="c", subcore_axis_name="s")

    @functools.partial(
        pl.kernel, mesh=mesh,
        out_type=jax.ShapeDtypeStruct((n_rows, d), jnp.float32),
        scratch_types=[
            pltpu.VMEM((chunk,), jnp.int32),
            pltpu.VMEM((chunk, d), jnp.float32),
            pltpu.SemaphoreType.DMA,
        ],
    )
    def k(table_hbm, idx_hbm, out_hbm, idx_v, rows_v, sem):
        wid = lax.axis_index("s") * nc + lax.axis_index("c")
        base = wid * per_w
        for j in range(nch):
            off = base + j * chunk
            pltpu.sync_copy(idx_hbm.at[pl.ds(off, chunk)], idx_v)
            pltpu.async_copy(table_hbm.at[idx_v], rows_v, sem).wait()
            pltpu.sync_copy(rows_v, out_hbm.at[pl.ds(off, chunk)])

    return k(table, idx.astype(jnp.int32))


def _layer_norm(x, g, b):
    mu = jnp.mean(x, axis=-1, keepdims=True)
    var = jnp.var(x, axis=-1, keepdims=True)
    return (x - mu) / jnp.sqrt(var + EPS) * g + b


def _rope_full(x, pos):
    half = ROPE // 2
    freq = 1.0 / (10000.0 ** (jnp.arange(half, dtype=jnp.float32) / half))
    ang = pos[None, :, None].astype(jnp.float32) * freq[None, None, :]
    cos = jnp.cos(ang)[:, :, None, :]
    sin = jnp.sin(ang)[:, :, None, :]
    x1 = x[..., :half]
    x2 = x[..., half:ROPE]
    rot = jnp.concatenate([x1 * cos - x2 * sin, x1 * sin + x2 * cos], axis=-1)
    return jnp.concatenate([rot, x[..., ROPE:]], axis=-1)


def _attn_block(x, p, pos):
    bq, sq, _ = x.shape
    q = (x @ p["Wq"]).reshape(bq, sq, H, DH)
    lat = x @ p["Wdkv"]
    k = (lat @ p["Wuk"]).reshape(bq, sq, H, DH)
    v = (lat @ p["Wuv"]).reshape(bq, sq, H, DH)
    q = _rope_full(q, pos)
    k = _rope_full(k, pos)
    scores = jnp.einsum("bqhd,bkhd->bhqk", q, k) / jnp.sqrt(float(DH))
    mask = jnp.tril(jnp.ones((sq, sq), dtype=bool))
    scores = jnp.where(mask[None, None, :, :], scores, -1e9)
    a = jax.nn.softmax(scores, axis=-1)
    o = jnp.einsum("bhqk,bkhd->bqhd", a, v).reshape(bq, sq, H * DH)
    return o @ p["Wo"]


def _moe_dense(x, p):
    logits = x @ p["Wr"]
    topv, topi = jax.lax.top_k(logits, TOPK)
    gate = jax.nn.softmax(topv, axis=-1)
    w = jnp.sum(gate[..., None] * jax.nn.one_hot(topi, E, dtype=x.dtype), axis=1)
    out = jnp.zeros_like(x)
    for e in range(E):
        h = jax.nn.gelu(x @ p["W1"][e] + p["b1"][e])
        out = out + w[:, e:e + 1] * (h @ p["W2"][e] + p["b2"][e])
    return out


def _route_meta(topi, gate):
    eflat = topi.reshape(NP)
    oh = jax.nn.one_hot(eflat, E, dtype=jnp.int32)
    pref = jnp.cumsum(oh, axis=0)
    counts = pref[-1]
    ends = jnp.cumsum(counts)
    starts = ends - counts
    rank = jnp.take_along_axis(pref, eflat[:, None], axis=1)[:, 0] - 1
    inv = (starts[eflat] + rank).astype(jnp.int32)
    iota = jnp.arange(NP, dtype=jnp.int32)
    perm = jnp.zeros((NP,), jnp.int32).at[inv].set(iota)
    qidx = (perm // TOPK).astype(jnp.int32)
    gs = gate.reshape(NP)[perm].reshape(NP, 1)
    t_first = starts // TMG
    t_last = jnp.where(counts > 0, (ends - 1) // TMG, 0)
    n_t = jnp.where(counts > 0, t_last - t_first + 1, 0)
    wends = jnp.cumsum(n_t)
    wstarts = wends - n_t
    w_real = wends[E - 1]
    ii = jnp.arange(NWU)
    gi = jnp.minimum(jnp.searchsorted(wends, ii, side="right"), E - 1)
    glast = jnp.minimum(jnp.searchsorted(wends, w_real - 1, side="right"), E - 1)
    real = ii < w_real
    gsel = jnp.where(real, gi, glast)
    mi = jnp.where(real, t_first[gsel] + (ii - wstarts[gsel]), t_last[glast])
    lo = jnp.where(real, jnp.maximum(starts[gsel], mi * TMG), 0)
    hi = jnp.where(real, jnp.minimum(ends[gsel], (mi + 1) * TMG), 0)
    init = jnp.concatenate(
        [jnp.ones((1,), jnp.int32), (mi[1:] != mi[:-1]).astype(jnp.int32)])
    meta = jnp.stack([gsel, mi, lo, hi, init]).astype(jnp.int32)
    return meta, perm, inv, qidx, gs


def _gmm_body(meta_ref, xs_ref, w1_ref, w2_ref, b1_ref, b2_ref, gs_ref,
              out_ref):
    i = pl.program_id(0)
    kk = pl.program_id(1)
    mi = meta_ref[1, i]
    lo = meta_ref[2, i]
    hi = meta_ref[3, i]
    ini = meta_ref[4, i]
    rows = mi * TMG + lax.broadcasted_iota(jnp.int32, (TMG, 1), 0)
    mg = jnp.where((rows >= lo) & (rows < hi), gs_ref[...], 0.0)
    x = xs_ref[...]
    h = jax.nn.gelu(jnp.dot(x, w1_ref[0], preferred_element_type=jnp.float32)
                    + b1_ref[0])
    h = h * mg

    @pl.when(jnp.logical_and(ini == 1, kk == 0))
    def _():
        out_ref[...] = jnp.zeros_like(out_ref)

    @pl.when(kk == 0)
    def _():
        out_ref[...] += mg * b2_ref[0]

    out_ref[...] += jnp.dot(h, w2_ref[0], preferred_element_type=jnp.float32)


def _gmm(meta, xs, w1, w2, b1, b2, gs):
    b1r = b1.reshape(E * NKT, 1, DFT)
    b2r = b2.reshape(E, 1, D)
    grid_spec = pltpu.PrefetchScalarGridSpec(
        num_scalar_prefetch=1,
        grid=(NWU, NKT),
        in_specs=[
            pl.BlockSpec((TMG, D), lambda i, k, meta: (meta[1, i], 0)),
            pl.BlockSpec((1, D, DFT), lambda i, k, meta: (meta[0, i], 0, k)),
            pl.BlockSpec((1, DFT, D), lambda i, k, meta: (meta[0, i], k, 0)),
            pl.BlockSpec((1, 1, DFT),
                         lambda i, k, meta: (meta[0, i] * NKT + k, 0, 0)),
            pl.BlockSpec((1, 1, D), lambda i, k, meta: (meta[0, i], 0, 0)),
            pl.BlockSpec((TMG, 1), lambda i, k, meta: (meta[1, i], 0)),
        ],
        out_specs=pl.BlockSpec((TMG, D), lambda i, k, meta: (meta[1, i], 0)),
    )
    return pl.pallas_call(
        _gmm_body,
        grid_spec=grid_spec,
        out_shape=jax.ShapeDtypeStruct((NP, D), jnp.float32),
    )(meta, xs, w1, w2, b1r, b2r, gs)


def _final_ln_body(x_ref, a_ref, b_ref, g_ref, bb_ref, o_ref):
    x = x_ref[...] + (a_ref[...] + b_ref[...])
    mu = jnp.mean(x, axis=1, keepdims=True)
    var = jnp.mean((x - mu) ** 2, axis=1, keepdims=True)
    o_ref[...] = (x - mu) / jnp.sqrt(var + EPS) * g_ref[...] + bb_ref[...]


def _final_ln(x, a, b, g, bb):
    row = pl.BlockSpec((TM, D), lambda m: (m, 0))
    full = pl.BlockSpec((1, D), lambda m: (0, 0))
    return pl.pallas_call(
        _final_ln_body,
        grid=(MT,),
        in_specs=[row, row, row, full, full],
        out_specs=row,
        out_shape=jax.ShapeDtypeStruct((S, D), jnp.float32),
    )(x, a, b, g.reshape(1, D), bb.reshape(1, D))


def _lm_body(x_ref, w_ref, o_ref):
    o_ref[...] = jnp.dot(x_ref[...], w_ref[...],
                         preferred_element_type=jnp.float32)


def _lm_head(x, w):
    return pl.pallas_call(
        _lm_body,
        grid=(NV,),
        in_specs=[pl.BlockSpec((S, D), lambda n: (0, 0)),
                  pl.BlockSpec((D, VT), lambda n: (0, n))],
        out_specs=pl.BlockSpec((S, VT), lambda n: (0, n)),
        out_shape=jax.ShapeDtypeStruct((S, V), jnp.float32),
    )(x, w)


def kernel(params, input_ids):
    p = params
    ids = input_ids.reshape(S)
    x = _sc_gather(p["embed"], ids, S, D).reshape(1, S, D)
    pos = jnp.arange(S)

    lp = p["layers"][0]
    n1 = _layer_norm(x, lp["ln1_g"], lp["ln1_b"])
    x = x + _attn_block(n1, lp, pos)
    n2 = _layer_norm(x, lp["ln2_g"], lp["ln2_b"])
    x = x + _moe_dense(n2.reshape(S, D), lp).reshape(1, S, D)

    lp = p["layers"][1]
    n1 = _layer_norm(x, lp["ln1_g"], lp["ln1_b"])
    x = x + _attn_block(n1, lp, pos)
    n2 = _layer_norm(x, lp["ln2_g"], lp["ln2_b"]).reshape(S, D)
    logits = n2 @ lp["Wr"]
    topv, topi = jax.lax.top_k(logits, TOPK)
    gate = jax.nn.softmax(topv, axis=-1)
    meta, perm, inv, qidx, gs = _route_meta(topi, gate)
    xs = _sc_gather(n2, qidx, NP, D)
    ys = _gmm(meta, xs, lp["W1"], lp["W2"], lp["b1"], lp["b2"], gs)
    yp = _sc_gather(ys, inv, NP, D).reshape(S, TOPK, D)

    xf = _final_ln(x.reshape(S, D), yp[:, 0], yp[:, 1], p["lnf_g"],
                   p["lnf_b"])
    logits_out = _lm_head(xf, p["lm_head"])
    return logits_out.reshape(1, S, V)

# --- scband reference (transcript-rebuilt; emitter-appended) ---
"""Pipeline reference for scband-deep-seek-v3-mini-7980049236628 (READ-ONLY COPY).

The authoritative reference and input builder live on the scoring server;
editing this copy changes nothing except your own understanding.
"""

import jax, jax.numpy as jnp
import numpy as np

V = 32000; NL = 2; D = 1024; H = 16; DH = 64; DFF = 4096; E = 8; TOPK = 2; DL = 256; ROPE = 64; EPS = 1e-6; B = 1; S = 2048


def _ln(x, g, b):
    mu = jnp.mean(x, axis=-1, keepdims=True)
    var = jnp.var(x, axis=-1, keepdims=True)
    return (x - mu) / jnp.sqrt(var + EPS) * g + b


def _rope(x, pos):
    half = ROPE // 2
    freq = 1.0 / (10000.0 ** (jnp.arange(half, dtype=jnp.float32) / half))
    ang = pos[None, :, None].astype(jnp.float32) * freq[None, None, :]
    cos = jnp.cos(ang)[:, :, None, :]
    sin = jnp.sin(ang)[:, :, None, :]
    x1 = x[..., :half]
    x2 = x[..., half:ROPE]
    rot = jnp.concatenate([x1 * cos - x2 * sin, x1 * sin + x2 * cos], axis=-1)
    return jnp.concatenate([rot, x[..., ROPE:]], axis=-1)


def _attn(x, p, pos):
    Bq, Sq, _ = x.shape
    q = (x @ p["Wq"]).reshape(Bq, Sq, H, DH)
    lat = x @ p["Wdkv"]
    k = (lat @ p["Wuk"]).reshape(Bq, Sq, H, DH)
    v = (lat @ p["Wuv"]).reshape(Bq, Sq, H, DH)
    q = _rope(q, pos)
    k = _rope(k, pos)
    scores = jnp.einsum("bqhd,bkhd->bhqk", q, k) / jnp.sqrt(float(DH))
    mask = jnp.tril(jnp.ones((Sq, Sq), dtype=bool))
    scores = jnp.where(mask[None, None, :, :], scores, -1e9)
    a = jax.nn.softmax(scores, axis=-1)
    o = jnp.einsum("bhqk,bkhd->bqhd", a, v).reshape(Bq, Sq, H * DH)
    return o @ p["Wo"]


def _moe(x, p):
    logits = x @ p["Wr"]
    topv, topi = jax.lax.top_k(logits, TOPK)
    gate = jax.nn.softmax(topv, axis=-1)
    w = jnp.sum(gate[..., None] * jax.nn.one_hot(topi, E, dtype=x.dtype), axis=1)
    out = jnp.zeros_like(x)
    for e in range(E):
        h = jax.nn.gelu(x @ p["W1"][e] + p["b1"][e])
        out = out + w[:, e:e + 1] * (h @ p["W2"][e] + p["b2"][e])
    return out


def _forward(params, input_ids):
    x = params["embed"][input_ids]
    pos = jnp.arange(input_ids.shape[1])
    for lp in params["layers"]:
        n1 = _ln(x, lp["ln1_g"], lp["ln1_b"])
        x = x + _attn(n1, lp, pos)
        n2 = _ln(x, lp["ln2_g"], lp["ln2_b"])
        m = _moe(n2.reshape(-1, D), lp).reshape(x.shape)
        x = x + m
    x = _ln(x, params["lnf_g"], params["lnf_b"])
    return x @ params["lm_head"]


def setup_inputs(seed: int = 0):
    key = jax.random.key(seed)
    ks = jax.random.split(key, 64)

    def nrm(shape, k):
        return jax.random.normal(ks[k], shape, dtype=jnp.float32) * 0.02

    layers = []
    ki = 1
    for l in range(NL):
        lp = {
            "ln1_g": jnp.ones((D,), jnp.float32), "ln1_b": jnp.zeros((D,), jnp.float32),
            "Wq": nrm((D, H * DH), ki), "Wdkv": nrm((D, DL), ki + 1),
            "Wuk": nrm((DL, H * DH), ki + 2), "Wuv": nrm((DL, H * DH), ki + 3),
            "Wo": nrm((H * DH, D), ki + 4),
            "ln2_g": jnp.ones((D,), jnp.float32), "ln2_b": jnp.zeros((D,), jnp.float32),
            "Wr": nrm((D, E), ki + 5),
            "W1": nrm((E, D, DFF), ki + 6), "b1": jnp.zeros((E, DFF), jnp.float32),
            "W2": nrm((E, DFF, D), ki + 7), "b2": jnp.zeros((E, D), jnp.float32),
        }
        ki += 8
        layers.append(lp)
    params = {
        "embed": nrm((V, D), ki),
        "layers": layers,
        "lnf_g": jnp.ones((D,), jnp.float32), "lnf_b": jnp.zeros((D,), jnp.float32),
        "lm_head": nrm((D, V), ki + 1),
    }
    input_ids = jax.random.randint(ks[ki + 2], (B, S), 0, V, dtype=jnp.int32)
    return {"params": params, "input_ids": input_ids}


def reference(params, input_ids):
    return _forward(params, input_ids)

if __name__ == "__main__":
    import jax
    _d = setup_inputs()
    print(jax.jit(kernel)(*tuple(_d.values())))

</pallas_src>

<mosaic_0001>
#map = affine_map<(d0, d1) -> (0, 0)>
#map1 = affine_map<(d0, d1) -> (0)>
module attributes {stable_mosaic.version = 14 : i64} {
  func.func @k(%arg0: i32, %arg1: i32, %arg2: memref<32000x1024xf32, #tpu.memory_space<hbm>>, %arg3: memref<2048xi32, #tpu.memory_space<hbm>>, %arg4: memref<2048x1024xf32, #tpu.memory_space<hbm>>, %arg5: memref<64xi32, #tpu.memory_space<vmem>>, %arg6: memref<64x1024xf32, #tpu.memory_space<vmem>>, %arg7: memref<!tpu.dma_semaphore, #tpu.memory_space<semaphore_mem>>) attributes {dimension_semantics = [#tpu.dimension_semantics<core_parallel>, #tpu.dimension_semantics<subcore_parallel>], iteration_bounds = array<i64: 2, 16>, scalar_prefetch = 0 : i64, scratch_operands = 3 : i64, tpu.core_type = #tpu.core_type<sc_vector_subcore>, window_params = [{transform_indices = #map}, {transform_indices = #map1}, {transform_indices = #map}]} {
    %mul3A = arith.constant 2 : i32
    %mul3A_0 = arith.muli %arg1, %mul3A : i32
    %add3A = arith.addi %mul3A_0, %arg0 : i32
    %mul3A_1 = arith.constant 64 : i32
    %mul3A_2 = arith.muli %add3A, %mul3A_1 : i32
    %add3A_3 = arith.constant 0 : i32
    %add3A_4 = arith.addi %mul3A_2, %add3A_3 : i32
    "tpu.region"() ({
      %run_scoped3A = tpu.sem_alloc : memref<!tpu.dma_semaphore, #tpu.memory_space<semaphore_mem>>
      %dma_start3A_9 = tpu.memref_slice %arg3[%add3A_4] : memref<2048xi32, #tpu.memory_space<hbm>> -> memref<64xi32, #tpu.memory_space<hbm>>
      %dma_start3A_10 = tpu.memref_slice %arg3[%add3A_4] : memref<2048xi32, #tpu.memory_space<hbm>> -> memref<64xi32, #tpu.memory_space<hbm>>
      tpu.enqueue_dma source(%dma_start3A_10 : memref<64xi32, #tpu.memory_space<hbm>>) target(%arg5 : memref<64xi32, #tpu.memory_space<vmem>>) target_semaphore(%run_scoped3A : memref<!tpu.dma_semaphore, #tpu.memory_space<semaphore_mem>>)
      %dma_wait3A_11 = tpu.memref_slice %arg3[%add3A_4] : memref<2048xi32, #tpu.memory_space<hbm>> -> memref<64xi32, #tpu.memory_space<hbm>>
      %dma_wait3A_12 = tpu.memref_slice %arg3[%add3A_4] : memref<2048xi32, #tpu.memory_space<hbm>> -> memref<64xi32, #tpu.memory_space<hbm>>
      tpu.wait_dma2 semaphore(%run_scoped3A : memref<!tpu.dma_semaphore, #tpu.memory_space<semaphore_mem>>) src(%dma_wait3A_12 : memref<64xi32, #tpu.memory_space<hbm>>) dst(%arg5 : memref<64xi32, #tpu.memory_space<vmem>>)
      tpu.yield
    }) : () -> ()
    %dma_start3A = arith.constant 0 : i32
    %dma_start3A_5 = arith.constant 0 : i32
    %dma_start3A_6 = tpu.memref_slice %arg2[%dma_start3A, %dma_start3A_5] : memref<32000x1024xf32, #tpu.memory_space<hbm>> -> memref<32000x1024xf32, #tpu.memory_space<hbm>>
    tpu.enqueue_indirect_dma source(%dma_start3A_6 : memref<32000x1024xf32, #tpu.memory_space<hbm>>) target(%arg6 : memref<64x1024xf32, #tpu.memory_space<vmem>>) offsets(%arg5 : memref<64xi32, #tpu.memory_space<vmem>>) semaphore(%arg7 : memref<!tpu.dma_semaphore, #tpu.memory_space<semaphore_mem>>)
    %dma_wait3A = arith.constant 0 : i32
    %dma_wait3A_7 = arith.constant 0 : i32
    %dma_wait3A_8 = tpu.memref_slice %arg2[%dma_wait3A, %dma_wait3A_7] : memref<32000x1024xf32, #tpu.memory_space<hbm>> -> memref<32000x1024xf32, #tpu.memory_space<hbm>>
    tpu.wait_indirect_dma semaphore(%arg7 : memref<!tpu.dma_semaphore, #tpu.memory_space<semaphore_mem>>) src(%dma_wait3A_8 : memref<32000x1024xf32, #tpu.memory_space<hbm>>) dst(%arg6 : memref<64x1024xf32, #tpu.memory_space<vmem>>)
    "tpu.region"() ({
      %run_scoped3A = tpu.sem_alloc : memref<!tpu.dma_semaphore, #tpu.memory_space<semaphore_mem>>
      %dma_start3A_9 = arith.constant 0 : i32
      %dma_start3A_10 = tpu.memref_slice %arg4[%add3A_4, %dma_start3A_9] : memref<2048x1024xf32, #tpu.memory_space<hbm>> -> memref<64x1024xf32, #tpu.memory_space<hbm>>
      %dma_start3A_11 = arith.constant 0 : i32
      %dma_start3A_12 = tpu.memref_slice %arg4[%add3A_4, %dma_start3A_11] : memref<2048x1024xf32, #tpu.memory_space<hbm>> -> memref<64x1024xf32, #tpu.memory_space<hbm>>
      tpu.enqueue_dma source(%arg6 : memref<64x1024xf32, #tpu.memory_space<vmem>>) target(%dma_start3A_12 : memref<64x1024xf32, #tpu.memory_space<hbm>>) target_semaphore(%run_scoped3A : memref<!tpu.dma_semaphore, #tpu.memory_space<semaphore_mem>>)
      %dma_wait3A_13 = arith.constant 0 : i32
      %dma_wait3A_14 = tpu.memref_slice %arg4[%add3A_4, %dma_wait3A_13] : memref<2048x1024xf32, #tpu.memory_space<hbm>> -> memref<64x1024xf32, #tpu.memory_space<hbm>>
      %dma_wait3A_15 = arith.constant 0 : i32
      %dma_wait3A_16 = tpu.memref_slice %arg4[%add3A_4, %dma_wait3A_15] : memref<2048x1024xf32, #tpu.memory_space<hbm>> -> memref<64x1024xf32, #tpu.memory_space<hbm>>
      tpu.wait_dma2 semaphore(%run_scoped3A : memref<!tpu.dma_semaphore, #tpu.memory_space<semaphore_mem>>) src(%arg6 : memref<64x1024xf32, #tpu.memory_space<vmem>>) dst(%dma_wait3A_16 : memref<64x1024xf32, #tpu.memory_space<hbm>>)
      tpu.yield
    }) : () -> ()
    return
  }
}

#map = affine_map<(d0, d1) -> (0, 0)>
#map1 = affine_map<(d0, d1) -> (0)>
module attributes {stable_mosaic.version = 14 : i64} {
  func.func @k(%arg0: i32, %arg1: i32, %arg2: memref<2048x1024xf32, #tpu.memory_space<hbm>>, %arg3: memref<4096xi32, #tpu.memory_space<hbm>>, %arg4: memref<4096x1024xf32, #tpu.memory_space<hbm>>, %arg5: memref<64xi32, #tpu.memory_space<vmem>>, %arg6: memref<64x1024xf32, #tpu.memory_space<vmem>>, %arg7: memref<!tpu.dma_semaphore, #tpu.memory_space<semaphore_mem>>) attributes {dimension_semantics = [#tpu.dimension_semantics<core_parallel>, #tpu.dimension_semantics<subcore_parallel>], iteration_bounds = array<i64: 2, 16>, scalar_prefetch = 0 : i64, scratch_operands = 3 : i64, tpu.core_type = #tpu.core_type<sc_vector_subcore>, window_params = [{transform_indices = #map}, {transform_indices = #map1}, {transform_indices = #map}]} {
    %mul3A = arith.constant 2 : i32
    %mul3A_0 = arith.muli %arg1, %mul3A : i32
    %add3A = arith.addi %mul3A_0, %arg0 : i32
    %mul3A_1 = arith.constant 128 : i32
    %mul3A_2 = arith.muli %add3A, %mul3A_1 : i32
    %add3A_3 = arith.constant 0 : i32
    %add3A_4 = arith.addi %mul3A_2, %add3A_3 : i32
    "tpu.region"() ({
      %run_scoped3A = tpu.sem_alloc : memref<!tpu.dma_semaphore, #tpu.memory_space<semaphore_mem>>
      %dma_start3A_17 = tpu.memref_slice %arg3[%add3A_4] : memref<4096xi32, #tpu.memory_space<hbm>> -> memref<64xi32, #tpu.memory_space<hbm>>
      %dma_start3A_18 = tpu.memref_slice %arg3[%add3A_4] : memref<4096xi32, #tpu.memory_space<hbm>> -> memref<64xi32, #tpu.memory_space<hbm>>
      tpu.enqueue_dma source(%dma_start3A_18 : memref<64xi32, #tpu.memory_space<hbm>>) target(%arg5 : memref<64xi32, #tpu.memory_space<vmem>>) target_semaphore(%run_scoped3A : memref<!tpu.dma_semaphore, #tpu.memory_space<semaphore_mem>>)
      %dma_wait3A_19 = tpu.memref_slice %arg3[%add3A_4] : memref<4096xi32, #tpu.memory_space<hbm>> -> memref<64xi32, #tpu.memory_space<hbm>>
      %dma_wait3A_20 = tpu.memref_slice %arg3[%add3A_4] : memref<4096xi32, #tpu.memory_space<hbm>> -> memref<64xi32, #tpu.memory_space<hbm>>
      tpu.wait_dma2 semaphore(%run_scoped3A : memref<!tpu.dma_semaphore, #tpu.memory_space<semaphore_mem>>) src(%dma_wait3A_20 : memref<64xi32, #tpu.memory_space<hbm>>) dst(%arg5 : memref<64xi32, #tpu.memory_space<vmem>>)
      tpu.yield
    }) : () -> ()
    %dma_start3A = arith.constant 0 : i32
    %dma_start3A_5 = arith.constant 0 : i32
    %dma_start3A_6 = tpu.memref_slice %arg2[%dma_start3A, %dma_start3A_5] : memref<2048x1024xf32, #tpu.memory_space<hbm>> -> memref<2048x1024xf32, #tpu.memory_space<hbm>>
    tpu.enqueue_indirect_dma source(%dma_start3A_6 : memref<2048x1024xf32, #tpu.memory_space<hbm>>) target(%arg6 : memref<64x1024xf32, #tpu.memory_space<vmem>>) offsets(%arg5 : memref<64xi32, #tpu.memory_space<vmem>>) semaphore(%arg7 : memref<!tpu.dma_semaphore, #tpu.memory_space<semaphore_mem>>)
    %dma_wait3A = arith.constant 0 : i32
    %dma_wait3A_7 = arith.constant 0 : i32
    %dma_wait3A_8 = tpu.memref_slice %arg2[%dma_wait3A, %dma_wait3A_7] : memref<2048x1024xf32, #tpu.memory_space<hbm>> -> memref<2048x1024xf32, #tpu.memory_space<hbm>>
    tpu.wait_indirect_dma semaphore(%arg7 : memref<!tpu.dma_semaphore, #tpu.memory_space<semaphore_mem>>) src(%dma_wait3A_8 : memref<2048x1024xf32, #tpu.memory_space<hbm>>) dst(%arg6 : memref<64x1024xf32, #tpu.memory_space<vmem>>)
    "tpu.region"() ({
      %run_scoped3A = tpu.sem_alloc : memref<!tpu.dma_semaphore, #tpu.memory_space<semaphore_mem>>
      %dma_start3A_17 = arith.constant 0 : i32
      %dma_start3A_18 = tpu.memref_slice %arg4[%add3A_4, %dma_start3A_17] : memref<4096x1024xf32, #tpu.memory_space<hbm>> -> memref<64x1024xf32, #tpu.memory_space<hbm>>
      %dma_start3A_19 = arith.constant 0 : i32
      %dma_start3A_20 = tpu.memref_slice %arg4[%add3A_4, %dma_start3A_19] : memref<4096x1024xf32, #tpu.memory_space<hbm>> -> memref<64x1024xf32, #tpu.memory_space<hbm>>
      tpu.enqueue_dma source(%arg6 : memref<64x1024xf32, #tpu.memory_space<vmem>>) target(%dma_start3A_20 : memref<64x1024xf32, #tpu.memory_space<hbm>>) target_semaphore(%run_scoped3A : memref<!tpu.dma_semaphore, #tpu.memory_space<semaphore_mem>>)
      %dma_wait3A_21 = arith.constant 0 : i32
      %dma_wait3A_22 = tpu.memref_slice %arg4[%add3A_4, %dma_wait3A_21] : memref<4096x1024xf32, #tpu.memory_space<hbm>> -> memref<64x1024xf32, #tpu.memory_space<hbm>>
      %dma_wait3A_23 = arith.constant 0 : i32
      %dma_wait3A_24 = tpu.memref_slice %arg4[%add3A_4, %dma_wait3A_23] : memref<4096x1024xf32, #tpu.memory_space<hbm>> -> memref<64x1024xf32, #tpu.memory_space<hbm>>
      tpu.wait_dma2 semaphore(%run_scoped3A : memref<!tpu.dma_semaphore, #tpu.memory_space<semaphore_mem>>) src(%arg6 : memref<64x1024xf32, #tpu.memory_space<vmem>>) dst(%dma_wait3A_24 : memref<64x1024xf32, #tpu.memory_space<hbm>>)
      tpu.yield
    }) : () -> ()
    %add3A_9 = arith.constant 64 : i32
    %add3A_10 = arith.addi %mul3A_2, %add3A_9 : i32
    "tpu.region"() ({
      %run_scoped3A = tpu.sem_alloc : memref<!tpu.dma_semaphore, #tpu.memory_space<semaphore_mem>>
      %dma_start3A_17 = tpu.memref_slice %arg3[%add3A_10] : memref<4096xi32, #tpu.memory_space<hbm>> -> memref<64xi32, #tpu.memory_space<hbm>>
      %dma_start3A_18 = tpu.memref_slice %arg3[%add3A_10] : memref<4096xi32, #tpu.memory_space<hbm>> -> memref<64xi32, #tpu.memory_space<hbm>>
      tpu.enqueue_dma source(%dma_start3A_18 : memref<64xi32, #tpu.memory_space<hbm>>) target(%arg5 : memref<64xi32, #tpu.memory_space<vmem>>) target_semaphore(%run_scoped3A : memref<!tpu.dma_semaphore, #tpu.memory_space<semaphore_mem>>)
      %dma_wait3A_19 = tpu.memref_slice %arg3[%add3A_10] : memref<4096xi32, #tpu.memory_space<hbm>> -> memref<64xi32, #tpu.memory_space<hbm>>
      %dma_wait3A_20 = tpu.memref_slice %arg3[%add3A_10] : memref<4096xi32, #tpu.memory_space<hbm>> -> memref<64xi32, #tpu.memory_space<hbm>>
      tpu.wait_dma2 semaphore(%run_scoped3A : memref<!tpu.dma_semaphore, #tpu.memory_space<semaphore_mem>>) src(%dma_wait3A_20 : memref<64xi32, #tpu.memory_space<hbm>>) dst(%arg5 : memref<64xi32, #tpu.memory_space<vmem>>)
      tpu.yield
    }) : () -> ()
    %dma_start3A_11 = arith.constant 0 : i32
    %dma_start3A_12 = arith.constant 0 : i32
    %dma_start3A_13 = tpu.memref_slice %arg2[%dma_start3A_11, %dma_start3A_12] : memref<2048x1024xf32, #tpu.memory_space<hbm>> -> memref<2048x1024xf32, #tpu.memory_space<hbm>>
    tpu.enqueue_indirect_dma source(%dma_start3A_13 : memref<2048x1024xf32, #tpu.memory_space<hbm>>) target(%arg6 : memref<64x1024xf32, #tpu.memory_space<vmem>>) offsets(%arg5 : memref<64xi32, #tpu.memory_space<vmem>>) semaphore(%arg7 : memref<!tpu.dma_semaphore, #tpu.memory_space<semaphore_mem>>)
    %dma_wait3A_14 = arith.constant 0 : i32
    %dma_wait3A_15 = arith.constant 0 : i32
    %dma_wait3A_16 = tpu.memref_slice %arg2[%dma_wait3A_14, %dma_wait3A_15] : memref<2048x1024xf32, #tpu.memory_space<hbm>> -> memref<2048x1024xf32, #tpu.memory_space<hbm>>
    tpu.wait_indirect_dma semaphore(%arg7 : memref<!tpu.dma_semaphore, #tpu.memory_space<semaphore_mem>>) src(%dma_wait3A_16 : memref<2048x1024xf32, #tpu.memory_space<hbm>>) dst(%arg6 : memref<64x1024xf32, #tpu.memory_space<vmem>>)
    "tpu.region"() ({
      %run_scoped3A = tpu.sem_alloc : memref<!tpu.dma_semaphore, #tpu.memory_space<semaphore_mem>>
      %dma_start3A_17 = arith.constant 0 : i32
      %dma_start3A_18 = tpu.memref_slice %arg4[%add3A_10, %dma_start3A_17] : memref<4096x1024xf32, #tpu.memory_space<hbm>> -> memref<64x1024xf32, #tpu.memory_space<hbm>>
      %dma_start3A_19 = arith.constant 0 : i32
      %dma_start3A_20 = tpu.memref_slice %arg4[%add3A_10, %dma_start3A_19] : memref<4096x1024xf32, #tpu.memory_space<hbm>> -> memref<64x1024xf32, #tpu.memory_space<hbm>>
      tpu.enqueue_dma source(%arg6 : memref<64x1024xf32, #tpu.memory_space<vmem>>) target(%dma_start3A_20 : memref<64x1024xf32, #tpu.memory_space<hbm>>) target_semaphore(%run_scoped3A : memref<!tpu.dma_semaphore, #tpu.memory_space<semaphore_mem>>)
      %dma_wait3A_21 = arith.constant 0 : i32
      %dma_wait3A_22 = tpu.memref_slice %arg4[%add3A_10, %dma_wait3A_21] : memref<4096x1024xf32, #tpu.memory_space<hbm>> -> memref<64x1024xf32, #tpu.memory_space<hbm>>
      %dma_wait3A_23 = arith.constant 0 : i32
      %dma_wait3A_24 = tpu.memref_slice %arg4[%add3A_10, %dma_wait3A_23] : memref<4096x1024xf32, #tpu.memory_space<hbm>> -> memref<64x1024xf32, #tpu.memory_space<hbm>>
      tpu.wait_dma2 semaphore(%run_scoped3A : memref<!tpu.dma_semaphore, #tpu.memory_space<semaphore_mem>>) src(%arg6 : memref<64x1024xf32, #tpu.memory_space<vmem>>) dst(%dma_wait3A_24 : memref<64x1024xf32, #tpu.memory_space<hbm>>)
      tpu.yield
    }) : () -> ()
    return
  }
}

#map = affine_map<(d0, d1) -> (0, 0)>
#map1 = affine_map<(d0, d1) -> (0)>
module attributes {stable_mosaic.version = 14 : i64} {
  func.func @k(%arg0: i32, %arg1: i32, %arg2: memref<4096x1024xf32, #tpu.memory_space<hbm>>, %arg3: memref<4096xi32, #tpu.memory_space<hbm>>, %arg4: memref<4096x1024xf32, #tpu.memory_space<hbm>>, %arg5: memref<64xi32, #tpu.memory_space<vmem>>, %arg6: memref<64x1024xf32, #tpu.memory_space<vmem>>, %arg7: memref<!tpu.dma_semaphore, #tpu.memory_space<semaphore_mem>>) attributes {dimension_semantics = [#tpu.dimension_semantics<core_parallel>, #tpu.dimension_semantics<subcore_parallel>], iteration_bounds = array<i64: 2, 16>, scalar_prefetch = 0 : i64, scratch_operands = 3 : i64, tpu.core_type = #tpu.core_type<sc_vector_subcore>, window_params = [{transform_indices = #map}, {transform_indices = #map1}, {transform_indices = #map}]} {
    %mul3A = arith.constant 2 : i32
    %mul3A_0 = arith.muli %arg1, %mul3A : i32
    %add3A = arith.addi %mul3A_0, %arg0 : i32
    %mul3A_1 = arith.constant 128 : i32
    %mul3A_2 = arith.muli %add3A, %mul3A_1 : i32
    %add3A_3 = arith.constant 0 : i32
    %add3A_4 = arith.addi %mul3A_2, %add3A_3 : i32
    "tpu.region"() ({
      %run_scoped3A = tpu.sem_alloc : memref<!tpu.dma_semaphore, #tpu.memory_space<semaphore_mem>>
      %dma_start3A_17 = tpu.memref_slice %arg3[%add3A_4] : memref<4096xi32, #tpu.memory_space<hbm>> -> memref<64xi32, #tpu.memory_space<hbm>>
      %dma_start3A_18 = tpu.memref_slice %arg3[%add3A_4] : memref<4096xi32, #tpu.memory_space<hbm>> -> memref<64xi32, #tpu.memory_space<hbm>>
      tpu.enqueue_dma source(%dma_start3A_18 : memref<64xi32, #tpu.memory_space<hbm>>) target(%arg5 : memref<64xi32, #tpu.memory_space<vmem>>) target_semaphore(%run_scoped3A : memref<!tpu.dma_semaphore, #tpu.memory_space<semaphore_mem>>)
      %dma_wait3A_19 = tpu.memref_slice %arg3[%add3A_4] : memref<4096xi32, #tpu.memory_space<hbm>> -> memref<64xi32, #tpu.memory_space<hbm>>
      %dma_wait3A_20 = tpu.memref_slice %arg3[%add3A_4] : memref<4096xi32, #tpu.memory_space<hbm>> -> memref<64xi32, #tpu.memory_space<hbm>>
      tpu.wait_dma2 semaphore(%run_scoped3A : memref<!tpu.dma_semaphore, #tpu.memory_space<semaphore_mem>>) src(%dma_wait3A_20 : memref<64xi32, #tpu.memory_space<hbm>>) dst(%arg5 : memref<64xi32, #tpu.memory_space<vmem>>)
      tpu.yield
    }) : () -> ()
    %dma_start3A = arith.constant 0 : i32
    %dma_start3A_5 = arith.constant 0 : i32
    %dma_start3A_6 = tpu.memref_slice %arg2[%dma_start3A, %dma_start3A_5] : memref<4096x1024xf32, #tpu.memory_space<hbm>> -> memref<4096x1024xf32, #tpu.memory_space<hbm>>
    tpu.enqueue_indirect_dma source(%dma_start3A_6 : memref<4096x1024xf32, #tpu.memory_space<hbm>>) target(%arg6 : memref<64x1024xf32, #tpu.memory_space<vmem>>) offsets(%arg5 : memref<64xi32, #tpu.memory_space<vmem>>) semaphore(%arg7 : memref<!tpu.dma_semaphore, #tpu.memory_space<semaphore_mem>>)
    %dma_wait3A = arith.constant 0 : i32
    %dma_wait3A_7 = arith.constant 0 : i32
    %dma_wait3A_8 = tpu.memref_slice %arg2[%dma_wait3A, %dma_wait3A_7] : memref<4096x1024xf32, #tpu.memory_space<hbm>> -> memref<4096x1024xf32, #tpu.memory_space<hbm>>
    tpu.wait_indirect_dma semaphore(%arg7 : memref<!tpu.dma_semaphore, #tpu.memory_space<semaphore_mem>>) src(%dma_wait3A_8 : memref<4096x1024xf32, #tpu.memory_space<hbm>>) dst(%arg6 : memref<64x1024xf32, #tpu.memory_space<vmem>>)
    "tpu.region"() ({
      %run_scoped3A = tpu.sem_alloc : memref<!tpu.dma_semaphore, #tpu.memory_space<semaphore_mem>>
      %dma_start3A_17 = arith.constant 0 : i32
      %dma_start3A_18 = tpu.memref_slice %arg4[%add3A_4, %dma_start3A_17] : memref<4096x1024xf32, #tpu.memory_space<hbm>> -> memref<64x1024xf32, #tpu.memory_space<hbm>>
      %dma_start3A_19 = arith.constant 0 : i32
      %dma_start3A_20 = tpu.memref_slice %arg4[%add3A_4, %dma_start3A_19] : memref<4096x1024xf32, #tpu.memory_space<hbm>> -> memref<64x1024xf32, #tpu.memory_space<hbm>>
      tpu.enqueue_dma source(%arg6 : memref<64x1024xf32, #tpu.memory_space<vmem>>) target(%dma_start3A_20 : memref<64x1024xf32, #tpu.memory_space<hbm>>) target_semaphore(%run_scoped3A : memref<!tpu.dma_semaphore, #tpu.memory_space<semaphore_mem>>)
      %dma_wait3A_21 = arith.constant 0 : i32
      %dma_wait3A_22 = tpu.memref_slice %arg4[%add3A_4, %dma_wait3A_21] : memref<4096x1024xf32, #tpu.memory_space<hbm>> -> memref<64x1024xf32, #tpu.memory_space<hbm>>
      %dma_wait3A_23 = arith.constant 0 : i32
      %dma_wait3A_24 = tpu.memref_slice %arg4[%add3A_4, %dma_wait3A_23] : memref<4096x1024xf32, #tpu.memory_space<hbm>> -> memref<64x1024xf32, #tpu.memory_space<hbm>>
      tpu.wait_dma2 semaphore(%run_scoped3A : memref<!tpu.dma_semaphore, #tpu.memory_space<semaphore_mem>>) src(%arg6 : memref<64x1024xf32, #tpu.memory_space<vmem>>) dst(%dma_wait3A_24 : memref<64x1024xf32, #tpu.memory_space<hbm>>)
      tpu.yield
    }) : () -> ()
    %add3A_9 = arith.constant 64 : i32
    %add3A_10 = arith.addi %mul3A_2, %add3A_9 : i32
    "tpu.region"() ({
      %run_scoped3A = tpu.sem_alloc : memref<!tpu.dma_semaphore, #tpu.memory_space<semaphore_mem>>
      %dma_start3A_17 = tpu.memref_slice %arg3[%add3A_10] : memref<4096xi32, #tpu.memory_space<hbm>> -> memref<64xi32, #tpu.memory_space<hbm>>
      %dma_start3A_18 = tpu.memref_slice %arg3[%add3A_10] : memref<4096xi32, #tpu.memory_space<hbm>> -> memref<64xi32, #tpu.memory_space<hbm>>
      tpu.enqueue_dma source(%dma_start3A_18 : memref<64xi32, #tpu.memory_space<hbm>>) target(%arg5 : memref<64xi32, #tpu.memory_space<vmem>>) target_semaphore(%run_scoped3A : memref<!tpu.dma_semaphore, #tpu.memory_space<semaphore_mem>>)
      %dma_wait3A_19 = tpu.memref_slice %arg3[%add3A_10] : memref<4096xi32, #tpu.memory_space<hbm>> -> memref<64xi32, #tpu.memory_space<hbm>>
      %dma_wait3A_20 = tpu.memref_slice %arg3[%add3A_10] : memref<4096xi32, #tpu.memory_space<hbm>> -> memref<64xi32, #tpu.memory_space<hbm>>
      tpu.wait_dma2 semaphore(%run_scoped3A : memref<!tpu.dma_semaphore, #tpu.memory_space<semaphore_mem>>) src(%dma_wait3A_20 : memref<64xi32, #tpu.memory_space<hbm>>) dst(%arg5 : memref<64xi32, #tpu.memory_space<vmem>>)
      tpu.yield
    }) : () -> ()
    %dma_start3A_11 = arith.constant 0 : i32
    %dma_start3A_12 = arith.constant 0 : i32
    %dma_start3A_13 = tpu.memref_slice %arg2[%dma_start3A_11, %dma_start3A_12] : memref<4096x1024xf32, #tpu.memory_space<hbm>> -> memref<4096x1024xf32, #tpu.memory_space<hbm>>
    tpu.enqueue_indirect_dma source(%dma_start3A_13 : memref<4096x1024xf32, #tpu.memory_space<hbm>>) target(%arg6 : memref<64x1024xf32, #tpu.memory_space<vmem>>) offsets(%arg5 : memref<64xi32, #tpu.memory_space<vmem>>) semaphore(%arg7 : memref<!tpu.dma_semaphore, #tpu.memory_space<semaphore_mem>>)
    %dma_wait3A_14 = arith.constant 0 : i32
    %dma_wait3A_15 = arith.constant 0 : i32
    %dma_wait3A_16 = tpu.memref_slice %arg2[%dma_wait3A_14, %dma_wait3A_15] : memref<4096x1024xf32, #tpu.memory_space<hbm>> -> memref<4096x1024xf32, #tpu.memory_space<hbm>>
    tpu.wait_indirect_dma semaphore(%arg7 : memref<!tpu.dma_semaphore, #tpu.memory_space<semaphore_mem>>) src(%dma_wait3A_16 : memref<4096x1024xf32, #tpu.memory_space<hbm>>) dst(%arg6 : memref<64x1024xf32, #tpu.memory_space<vmem>>)
    "tpu.region"() ({
      %run_scoped3A = tpu.sem_alloc : memref<!tpu.dma_semaphore, #tpu.memory_space<semaphore_mem>>
      %dma_start3A_17 = arith.constant 0 : i32
      %dma_start3A_18 = tpu.memref_slice %arg4[%add3A_10, %dma_start3A_17] : memref<4096x1024xf32, #tpu.memory_space<hbm>> -> memref<64x1024xf32, #tpu.memory_space<hbm>>
      %dma_start3A_19 = arith.constant 0 : i32
      %dma_start3A_20 = tpu.memref_slice %arg4[%add3A_10, %dma_start3A_19] : memref<4096x1024xf32, #tpu.memory_space<hbm>> -> memref<64x1024xf32, #tpu.memory_space<hbm>>
      tpu.enqueue_dma source(%arg6 : memref<64x1024xf32, #tpu.memory_space<vmem>>) target(%dma_start3A_20 : memref<64x1024xf32, #tpu.memory_space<hbm>>) target_semaphore(%run_scoped3A : memref<!tpu.dma_semaphore, #tpu.memory_space<semaphore_mem>>)
      %dma_wait3A_21 = arith.constant 0 : i32
      %dma_wait3A_22 = tpu.memref_slice %arg4[%add3A_10, %dma_wait3A_21] : memref<4096x1024xf32, #tpu.memory_space<hbm>> -> memref<64x1024xf32, #tpu.memory_space<hbm>>
      %dma_wait3A_23 = arith.constant 0 : i32
      %dma_wait3A_24 = tpu.memref_slice %arg4[%add3A_10, %dma_wait3A_23] : memref<4096x1024xf32, #tpu.memory_space<hbm>> -> memref<64x1024xf32, #tpu.memory_space<hbm>>
      tpu.wait_dma2 semaphore(%run_scoped3A : memref<!tpu.dma_semaphore, #tpu.memory_space<semaphore_mem>>) src(%arg6 : memref<64x1024xf32, #tpu.memory_space<vmem>>) dst(%dma_wait3A_24 : memref<64x1024xf32, #tpu.memory_space<hbm>>)
      tpu.yield
    }) : () -> ()
    return
  }
}

module attributes {stable_mosaic.version = 14 : i64} {
  func.func @_gmm_body(%arg0: i32, %arg1: i32, %arg2: memref<5x15xi32, #tpu.memory_space<smem>>, %arg3: memref<512x1024xf32, #tpu.memory_space<vmem>>, %arg4: memref<1x1024x1024xf32, #tpu.memory_space<vmem>>, %arg5: memref<1x1024x1024xf32, #tpu.memory_space<vmem>>, %arg6: memref<1x1x1024xf32, #tpu.memory_space<vmem>>, %arg7: memref<1x1x1024xf32, #tpu.memory_space<vmem>>, %arg8: memref<512x1xf32, #tpu.memory_space<vmem>>, %arg9: memref<512x1024xf32, #tpu.memory_space<vmem>>) attributes {dimension_semantics = [#tpu.dimension_semantics<arbitrary>, #tpu.dimension_semantics<arbitrary>], iteration_bounds = array<i64: 15, 4>, scalar_prefetch = 1 : i64, scratch_operands = 0 : i64, tpu.core_type = #tpu.core_type<tc>, window_params = [{transform_indices = @transform_0, window_bounds = array<i64: 512, 1024>}, {transform_indices = @transform_1, window_bounds = array<i64: 1, 1024, 1024>}, {transform_indices = @transform_2, window_bounds = array<i64: 1, 1024, 1024>}, {transform_indices = @transform_3, window_bounds = array<i64: 1, 1, 1024>}, {transform_indices = @transform_4, window_bounds = array<i64: 1, 1, 1024>}, {transform_indices = @transform_5, window_bounds = array<i64: 512, 1>}, {transform_indices = @transform_6, window_bounds = array<i64: 512, 1024>}]} {
    %get3A = arith.constant 1 : index
    %get3A_0 = arith.index_cast %arg0 : i32 to index
    %get3A_1 = memref.load %arg2[%get3A, %get3A_0] : memref<5x15xi32, #tpu.memory_space<smem>>
    %get3A_2 = arith.constant 2 : index
    %get3A_3 = arith.index_cast %arg0 : i32 to index
    %get3A_4 = memref.load %arg2[%get3A_2, %get3A_3] : memref<5x15xi32, #tpu.memory_space<smem>>
    %get3A_5 = arith.constant 3 : index
    %get3A_6 = arith.index_cast %arg0 : i32 to index
    %get3A_7 = memref.load %arg2[%get3A_5, %get3A_6] : memref<5x15xi32, #tpu.memory_space<smem>>
    %get3A_8 = arith.constant 4 : index
    %get3A_9 = arith.index_cast %arg0 : i32 to index
    %get3A_10 = memref.load %arg2[%get3A_8, %get3A_9] : memref<5x15xi32, #tpu.memory_space<smem>>
    %mul3A = arith.constant 512 : i32
    %mul3A_11 = arith.muli %get3A_1, %mul3A : i32
    %iota3A = tpu.iota {dimensions = array<i32: 0>} : vector<512x1xi32>
    %add3A = vector.broadcast %mul3A_11 : i32 to vector<512x1xi32>
    %add3A_12 = arith.addi %add3A, %iota3A : vector<512x1xi32>
    %ge3A = vector.broadcast %get3A_4 : i32 to vector<512x1xi32>
    %ge3A_13 = arith.cmpi sge, %add3A_12, %ge3A : vector<512x1xi32>
    %lt3A = vector.broadcast %get3A_7 : i32 to vector<512x1xi32>
    %lt3A_14 = arith.cmpi slt, %add3A_12, %lt3A : vector<512x1xi32>
    %and3A = arith.andi %ge3A_13, %lt3A_14 : vector<512x1xi1>
    %get3A_15 = arith.constant 0 : index
    %get3A_16 = arith.constant 0 : index
    %get3A_17 = vector.load %arg8[%get3A_15, %get3A_16] : memref<512x1xf32, #tpu.memory_space<vmem>>, vector<512x1xf32>
    %jit3A = arith.constant 0.000000e+00 : f32
    %broadcast_in_dim3A = vector.broadcast %jit3A : f32 to vector<512x1xf32>
    %select_n3A = arith.select %and3A, %get3A_17, %broadcast_in_dim3A : vector<512x1xi1>, vector<512x1xf32>
    %get3A_18 = arith.constant 0 : index
    %get3A_19 = arith.constant 0 : index
    %get3A_20 = vector.load %arg3[%get3A_18, %get3A_19] : memref<512x1024xf32, #tpu.memory_space<vmem>>, vector<512x1024xf32>
    %get3A_21 = arith.constant 0 : index
    %get3A_22 = arith.constant 0 : index
    %get3A_23 = arith.constant 0 : index
    %get3A_24 = vector.load %arg4[%get3A_21, %get3A_22, %get3A_23] : memref<1x1024x1024xf32, #tpu.memory_space<vmem>>, vector<1x1024x1024xf32>
    %get3A_25 = vector.shape_cast %get3A_24 : vector<1x1024x1024xf32> to vector<1024x1024xf32>
    %dot_general3A = arith.constant dense<0.000000e+00> : vector<512x1024xf32>
    %dot_general3A_26 = tpu.matmul %get3A_20, %get3A_25, %dot_general3A {dimension_numbers = #tpu.dot_dimension_numbers<[1], [0], [0], [1], [0, 0, 1, 1], [], []>, transpose_lhs_hint = false} : vector<512x1024xf32>, vector<1024x1024xf32>, vector<512x1024xf32> -> vector<512x1024xf32>
    %get3A_27 = arith.constant 0 : index
    %get3A_28 = arith.constant 0 : index
    %get3A_29 = arith.constant 0 : index
    %get3A_30 = vector.load %arg6[%get3A_27, %get3A_28, %get3A_29] : memref<1x1x1024xf32, #tpu.memory_space<vmem>>, vector<1x1x1024xf32>
    %get3A_31 = vector.shape_cast %get3A_30 : vector<1x1x1024xf32> to vector<1x1024xf32>
    %add3A_32 = vector.broadcast %get3A_31 : vector<1x1024xf32> to vector<512x1024xf32>
    %add3A_33 = arith.addf %dot_general3A_26, %add3A_32 : vector<512x1024xf32>
    %integer_pow3A = arith.mulf %add3A_33, %add3A_33 : vector<512x1024xf32>
    %integer_pow3A_34 = arith.mulf %add3A_33, %integer_pow3A : vector<512x1024xf32>
    %mul3A_35 = arith.constant 4.471500e-02 : f32
    %mul3A_36 = vector.broadcast %mul3A_35 : f32 to vector<512x1024xf32>
    %mul3A_37 = arith.mulf %mul3A_36, %integer_pow3A_34 : vector<512x1024xf32>
    %add3A_38 = arith.addf %add3A_33, %mul3A_37 : vector<512x1024xf32>
    %mul3A_39 = arith.constant 0.797884583 : f32
    %mul3A_40 = vector.broadcast %mul3A_39 : f32 to vector<512x1024xf32>
    %mul3A_41 = arith.mulf %mul3A_40, %add3A_38 : vector<512x1024xf32>
    %tanh3A = math.tanh %mul3A_41 : vector<512x1024xf32>
    %add3A_42 = arith.constant 1.000000e+00 : f32
    %add3A_43 = vector.broadcast %add3A_42 : f32 to vector<512x1024xf32>
    %add3A_44 = arith.addf %add3A_43, %tanh3A : vector<512x1024xf32>
    %mul3A_45 = arith.constant 5.000000e-01 : f32
    %mul3A_46 = vector.broadcast %mul3A_45 : f32 to vector<512x1024xf32>
    %mul3A_47 = arith.mulf %mul3A_46, %add3A_44 : vector<512x1024xf32>
    %mul3A_48 = arith.mulf %add3A_33, %mul3A_47 : vector<512x1024xf32>
    %mul3A_49 = vector.broadcast %select_n3A : vector<512x1xf32> to vector<512x1024xf32>
    %mul3A_50 = arith.mulf %mul3A_48, %mul3A_49 : vector<512x1024xf32>
    %eq3A = arith.constant 1 : i32
    %eq3A_51 = arith.cmpi eq, %get3A_10, %eq3A : i32
    %eq3A_52 = arith.constant 0 : i32
    %eq3A_53 = arith.cmpi eq, %arg1, %eq3A_52 : i32
    %and3A_54 = arith.andi %eq3A_51, %eq3A_53 : i1
    %convert_element_type3A = arith.extui %and3A_54 : i1 to i32
    %cond3A = arith.constant 0 : i32
    %cond3A_55 = arith.cmpi ne, %convert_element_type3A, %cond3A : i32
    scf.if %cond3A_55 {
      %broadcast_in_dim3A_74 = arith.constant 0.000000e+00 : f32
      %broadcast_in_dim3A_75 = vector.broadcast %broadcast_in_dim3A_74 : f32 to vector<512x1024xf32>
      %swap3A_76 = arith.constant 0 : index
      %swap3A_77 = arith.constant 0 : index
      %swap3A_78 = vector.load %arg9[%swap3A_76, %swap3A_77] : memref<512x1024xf32, #tpu.memory_space<vmem>>, vector<512x1024xf32>
      tpu.vector_store %arg9[%swap3A_76, %swap3A_77], %broadcast_in_dim3A_75 {strides = array<i32>} : memref<512x1024xf32, #tpu.memory_space<vmem>>, vector<512x1024xf32>,
    } else {
    }
    %eq3A_56 = arith.constant 0 : i32
    %eq3A_57 = arith.cmpi eq, %arg1, %eq3A_56 : i32
    %convert_element_type3A_58 = arith.extui %eq3A_57 : i1 to i32
    %cond3A_59 = arith.constant 0 : i32
    %cond3A_60 = arith.cmpi ne, %convert_element_type3A_58, %cond3A_59 : i32
    scf.if %cond3A_60 {
      %get3A_74 = arith.constant 0 : index
      %get3A_75 = arith.constant 0 : index
      %get3A_76 = vector.load %arg9[%get3A_74, %get3A_75] : memref<512x1024xf32, #tpu.memory_space<vmem>>, vector<512x1024xf32>
      %get3A_77 = arith.constant 0 : index
      %get3A_78 = arith.constant 0 : index
      %get3A_79 = arith.constant 0 : index
      %get3A_80 = vector.load %arg7[%get3A_77, %get3A_78, %get3A_79] : memref<1x1x1024xf32, #tpu.memory_space<vmem>>, vector<1x1x1024xf32>
      %get3A_81 = vector.shape_cast %get3A_80 : vector<1x1x1024xf32> to vector<1x1024xf32>
      %mul3A_82 = vector.broadcast %select_n3A : vector<512x1xf32> to vector<512x1024xf32>
      %mul3A_83 = vector.broadcast %get3A_81 : vector<1x1024xf32> to vector<512x1024xf32>
      %mul3A_84 = arith.mulf %mul3A_82, %mul3A_83 : vector<512x1024xf32>
      %add3A_85 = arith.addf %get3A_76, %mul3A_84 : vector<512x1024xf32>
      %swap3A_86 = arith.constant 0 : index
      %swap3A_87 = arith.constant 0 : index
      %swap3A_88 = vector.load %arg9[%swap3A_86, %swap3A_87] : memref<512x1024xf32, #tpu.memory_space<vmem>>, vector<512x1024xf32>
      tpu.vector_store %arg9[%swap3A_86, %swap3A_87], %add3A_85 {strides = array<i32>} : memref<512x1024xf32, #tpu.memory_space<vmem>>, vector<512x1024xf32>,
    } else {
    }
    %get3A_61 = arith.constant 0 : index
    %get3A_62 = arith.constant 0 : index
    %get3A_63 = vector.load %arg9[%get3A_61, %get3A_62] : memref<512x1024xf32, #tpu.memory_space<vmem>>, vector<512x1024xf32>
    %get3A_64 = arith.constant 0 : index
    %get3A_65 = arith.constant 0 : index
    %get3A_66 = arith.constant 0 : index
    %get3A_67 = vector.load %arg5[%get3A_64, %get3A_65, %get3A_66] : memref<1x1024x1024xf32, #tpu.memory_space<vmem>>, vector<1x1024x1024xf32>
    %get3A_68 = vector.shape_cast %get3A_67 : vector<1x1024x1024xf32> to vector<1024x1024xf32>
    %dot_general3A_69 = arith.constant dense<0.000000e+00> : vector<512x1024xf32>
    %dot_general3A_70 = tpu.matmul %mul3A_50, %get3A_68, %dot_general3A_69 {dimension_numbers = #tpu.dot_dimension_numbers<[1], [0], [0], [1], [0, 0, 1, 1], [], []>, transpose_lhs_hint = false} : vector<512x1024xf32>, vector<1024x1024xf32>, vector<512x1024xf32> -> vector<512x1024xf32>
    %add3A_71 = arith.addf %get3A_63, %dot_general3A_70 : vector<512x1024xf32>
    %swap3A = arith.constant 0 : index
    %swap3A_72 = arith.constant 0 : index
    %swap3A_73 = vector.load %arg9[%swap3A, %swap3A_72] : memref<512x1024xf32, #tpu.memory_space<vmem>>, vector<512x1024xf32>
    tpu.vector_store %arg9[%swap3A, %swap3A_72], %add3A_71 {strides = array<i32>} : memref<512x1024xf32, #tpu.memory_space<vmem>>, vector<512x1024xf32>,
    return
  }
  func.func @transform_0(%arg0: i32, %arg1: i32, %arg2: memref<5x15xi32, #tpu.memory_space<smem>>) -> (i32, i32) {
    %get3A = arith.constant 1 : index
    %get3A_0 = arith.index_cast %arg0 : i32 to index
    %get3A_1 = memref.load %arg2[%get3A, %get3A_0] : memref<5x15xi32, #tpu.memory_space<smem>>
    %c0_i32 = arith.constant 0 : i32
    %c0_i32_2 = arith.constant 0 : i32
    return %get3A_1, %c0_i32 : i32, i32
  }
  func.func @transform_1(%arg0: i32, %arg1: i32, %arg2: memref<5x15xi32, #tpu.memory_space<smem>>) -> (i32, i32, i32) {
    %get3A = arith.constant 0 : index
    %get3A_0 = arith.index_cast %arg0 : i32 to index
    %get3A_1 = memref.load %arg2[%get3A, %get3A_0] : memref<5x15xi32, #tpu.memory_space<smem>>
    %c0_i32 = arith.constant 0 : i32
    %c0_i32_2 = arith.constant 0 : i32
    return %get3A_1, %c0_i32, %arg1 : i32, i32, i32
  }
  func.func @transform_2(%arg0: i32, %arg1: i32, %arg2: memref<5x15xi32, #tpu.memory_space<smem>>) -> (i32, i32, i32) {
    %get3A = arith.constant 0 : index
    %get3A_0 = arith.index_cast %arg0 : i32 to index
    %get3A_1 = memref.load %arg2[%get3A, %get3A_0] : memref<5x15xi32, #tpu.memory_space<smem>>
    %c0_i32 = arith.constant 0 : i32
    %c0_i32_2 = arith.constant 0 : i32
    return %get3A_1, %arg1, %c0_i32 : i32, i32, i32
  }
  func.func @transform_3(%arg0: i32, %arg1: i32, %arg2: memref<5x15xi32, #tpu.memory_space<smem>>) -> (i32, i32, i32) {
    %get3A = arith.constant 0 : index
    %get3A_0 = arith.index_cast %arg0 : i32 to index
    %get3A_1 = memref.load %arg2[%get3A, %get3A_0] : memref<5x15xi32, #tpu.memory_space<smem>>
    %mul3A = arith.constant 4 : i32
    %mul3A_2 = arith.muli %get3A_1, %mul3A : i32
    %add3A = arith.addi %mul3A_2, %arg1 : i32
    %c0_i32 = arith.constant 0 : i32
    %c0_i32_3 = arith.constant 0 : i32
    %c0_i32_4 = arith.constant 0 : i32
    return %add3A, %c0_i32, %c0_i32_3 : i32, i32, i32
  }
  func.func @transform_4(%arg0: i32, %arg1: i32, %arg2: memref<5x15xi32, #tpu.memory_space<smem>>) -> (i32, i32, i32) {
    %get3A = arith.constant 0 : index
    %get3A_0 = arith.index_cast %arg0 : i32 to index
    %get3A_1 = memref.load %arg2[%get3A, %get3A_0] : memref<5x15xi32, #tpu.memory_space<smem>>
    %c0_i32 = arith.constant 0 : i32
    %c0_i32_2 = arith.constant 0 : i32
    %c0_i32_3 = arith.constant 0 : i32
    return %get3A_1, %c0_i32, %c0_i32_2 : i32, i32, i32
  }
  func.func @transform_5(%arg0: i32, %arg1: i32, %arg2: memref<5x15xi32, #tpu.memory_space<smem>>) -> (i32, i32) {
    %get3A = arith.constant 1 : index
    %get3A_0 = arith.index_cast %arg0 : i32 to index
    %get3A_1 = memref.load %arg2[%get3A, %get3A_0] : memref<5x15xi32, #tpu.memory_space<smem>>
    %c0_i32 = arith.constant 0 : i32
    %c0_i32_2 = arith.constant 0 : i32
    return %get3A_1, %c0_i32 : i32, i32
  }
  func.func @transform_6(%arg0: i32, %arg1: i32, %arg2: memref<5x15xi32, #tpu.memory_space<smem>>) -> (i32, i32) {
    %get3A = arith.constant 1 : index
    %get3A_0 = arith.index_cast %arg0 : i32 to index
    %get3A_1 = memref.load %arg2[%get3A, %get3A_0] : memref<5x15xi32, #tpu.memory_space<smem>>
    %c0_i32 = arith.constant 0 : i32
    %c0_i32_2 = arith.constant 0 : i32
    return %get3A_1, %c0_i32 : i32, i32
  }
}

module attributes {stable_mosaic.version = 14 : i64} {
  func.func @_final_ln_body(%arg0: i32, %arg1: memref<128x1024xf32, #tpu.memory_space<vmem>>, %arg2: memref<128x1024xf32, #tpu.memory_space<vmem>>, %arg3: memref<128x1024xf32, #tpu.memory_space<vmem>>, %arg4: memref<1x1024xf32, #tpu.memory_space<vmem>>, %arg5: memref<1x1024xf32, #tpu.memory_space<vmem>>, %arg6: memref<128x1024xf32, #tpu.memory_space<vmem>>) attributes {dimension_semantics = [#tpu.dimension_semantics<arbitrary>], iteration_bounds = array<i64: 16>, scalar_prefetch = 0 : i64, scratch_operands = 0 : i64, tpu.core_type = #tpu.core_type<tc>, window_params = [{transform_indices = @transform_0, window_bounds = array<i64: 128, 1024>}, {transform_indices = @transform_1, window_bounds = array<i64: 128, 1024>}, {transform_indices = @transform_2, window_bounds = array<i64: 128, 1024>}, {pipeline_mode = #tpu.pipeline_mode<synchronous>, transform_indices = @transform_3, window_bounds = array<i64: 1, 1024>}, {pipeline_mode = #tpu.pipeline_mode<synchronous>, transform_indices = @transform_4, window_bounds = array<i64: 1, 1024>}, {transform_indices = @transform_5, window_bounds = array<i64: 128, 1024>}]} {
    %get3A = arith.constant 0 : index
    %get3A_0 = arith.constant 0 : index
    %get3A_1 = vector.load %arg1[%get3A, %get3A_0] : memref<128x1024xf32, #tpu.memory_space<vmem>>, vector<128x1024xf32>
    %get3A_2 = arith.constant 0 : index
    %get3A_3 = arith.constant 0 : index
    %get3A_4 = vector.load %arg2[%get3A_2, %get3A_3] : memref<128x1024xf32, #tpu.memory_space<vmem>>, vector<128x1024xf32>
    %get3A_5 = arith.constant 0 : index
    %get3A_6 = arith.constant 0 : index
    %get3A_7 = vector.load %arg3[%get3A_5, %get3A_6] : memref<128x1024xf32, #tpu.memory_space<vmem>>, vector<128x1024xf32>
    %add3A = arith.addf %get3A_4, %get3A_7 : vector<128x1024xf32>
    %add3A_8 = arith.addf %get3A_1, %add3A : vector<128x1024xf32>
    %reduce_sum3A = arith.constant dense<0.000000e+00> : vector<128xf32>
    %reduce_sum3A_9 = vector.multi_reduction <add>, %add3A_8, %reduce_sum3A [1] : vector<128x1024xf32> to vector<128xf32>
    %broadcast_in_dim3A = vector.shape_cast %reduce_sum3A_9 : vector<128xf32> to vector<128x1xf32>
    %div3A = arith.constant 1.024000e+03 : f32
    %div3A_10 = vector.broadcast %div3A : f32 to vector<128x1xf32>
    %div3A_11 = arith.divf %broadcast_in_dim3A, %div3A_10 : vector<128x1xf32>
    %sub3A = vector.broadcast %div3A_11 : vector<128x1xf32> to vector<128x1024xf32>
    %sub3A_12 = arith.subf %add3A_8, %sub3A : vector<128x1024xf32>
    %integer_pow3A = arith.mulf %sub3A_12, %sub3A_12 : vector<128x1024xf32>
    %reduce_sum3A_13 = arith.constant dense<0.000000e+00> : vector<128xf32>
    %reduce_sum3A_14 = vector.multi_reduction <add>, %integer_pow3A, %reduce_sum3A_13 [1] : vector<128x1024xf32> to vector<128xf32>
    %broadcast_in_dim3A_15 = vector.shape_cast %reduce_sum3A_14 : vector<128xf32> to vector<128x1xf32>
    %div3A_16 = arith.constant 1.024000e+03 : f32
    %div3A_17 = vector.broadcast %div3A_16 : f32 to vector<128x1xf32>
    %div3A_18 = arith.divf %broadcast_in_dim3A_15, %div3A_17 : vector<128x1xf32>
    %sub3A_19 = vector.broadcast %div3A_11 : vector<128x1xf32> to vector<128x1024xf32>
    %sub3A_20 = arith.subf %add3A_8, %sub3A_19 : vector<128x1024xf32>
    %add3A_21 = arith.constant 9.99999997E-7 : f32
    %add3A_22 = vector.broadcast %add3A_21 : f32 to vector<128x1xf32>
    %add3A_23 = arith.addf %div3A_18, %add3A_22 : vector<128x1xf32>
    %sqrt3A = math.sqrt %add3A_23 : vector<128x1xf32>
    %div3A_24 = vector.broadcast %sqrt3A : vector<128x1xf32> to vector<128x1024xf32>
    %div3A_25 = arith.divf %sub3A_20, %div3A_24 : vector<128x1024xf32>
    %get3A_26 = arith.constant 0 : index
    %get3A_27 = arith.constant 0 : index
    %get3A_28 = vector.load %arg4[%get3A_26, %get3A_27] : memref<1x1024xf32, #tpu.memory_space<vmem>>, vector<1x1024xf32>
    %mul3A = vector.broadcast %get3A_28 : vector<1x1024xf32> to vector<128x1024xf32>
    %mul3A_29 = arith.mulf %div3A_25, %mul3A : vector<128x1024xf32>
    %get3A_30 = arith.constant 0 : index
    %get3A_31 = arith.constant 0 : index
    %get3A_32 = vector.load %arg5[%get3A_30, %get3A_31] : memref<1x1024xf32, #tpu.memory_space<vmem>>, vector<1x1024xf32>
    %add3A_33 = vector.broadcast %get3A_32 : vector<1x1024xf32> to vector<128x1024xf32>
    %add3A_34 = arith.addf %mul3A_29, %add3A_33 : vector<128x1024xf32>
    %swap3A = arith.constant 0 : index
    %swap3A_35 = arith.constant 0 : index
    %swap3A_36 = vector.load %arg6[%swap3A, %swap3A_35] : memref<128x1024xf32, #tpu.memory_space<vmem>>, vector<128x1024xf32>
    tpu.vector_store %arg6[%swap3A, %swap3A_35], %add3A_34 {strides = array<i32>} : memref<128x1024xf32, #tpu.memory_space<vmem>>, vector<128x1024xf32>,
    return
  }
  func.func @transform_0(%arg0: i32) -> (i32, i32) {
    %c0_i32 = arith.constant 0 : i32
    %c0_i32_0 = arith.constant 0 : i32
    return %arg0, %c0_i32 : i32, i32
  }
  func.func @transform_1(%arg0: i32) -> (i32, i32) {
    %c0_i32 = arith.constant 0 : i32
    %c0_i32_0 = arith.constant 0 : i32
    return %arg0, %c0_i32 : i32, i32
  }
  func.func @transform_2(%arg0: i32) -> (i32, i32) {
    %c0_i32 = arith.constant 0 : i32
    %c0_i32_0 = arith.constant 0 : i32
    return %arg0, %c0_i32 : i32, i32
  }
  func.func @transform_3(%arg0: i32) -> (i32, i32) {
    %c0_i32 = arith.constant 0 : i32
    %c0_i32_0 = arith.constant 0 : i32
    %c0_i32_1 = arith.constant 0 : i32
    return %c0_i32, %c0_i32_0 : i32, i32
  }
  func.func @transform_4(%arg0: i32) -> (i32, i32) {
    %c0_i32 = arith.constant 0 : i32
    %c0_i32_0 = arith.constant 0 : i32
    %c0_i32_1 = arith.constant 0 : i32
    return %c0_i32, %c0_i32_0 : i32, i32
  }
  func.func @transform_5(%arg0: i32) -> (i32, i32) {
    %c0_i32 = arith.constant 0 : i32
    %c0_i32_0 = arith.constant 0 : i32
    return %arg0, %c0_i32 : i32, i32
  }
}

module attributes {stable_mosaic.version = 14 : i64} {
  func.func @_lm_body(%arg0: i32, %arg1: memref<2048x1024xf32, #tpu.memory_space<vmem>>, %arg2: memref<1024x640xf32, #tpu.memory_space<vmem>>, %arg3: memref<2048x640xf32, #tpu.memory_space<vmem>>) attributes {dimension_semantics = [#tpu.dimension_semantics<arbitrary>], iteration_bounds = array<i64: 50>, scalar_prefetch = 0 : i64, scratch_operands = 0 : i64, tpu.core_type = #tpu.core_type<tc>, window_params = [{pipeline_mode = #tpu.pipeline_mode<synchronous>, transform_indices = @transform_0, window_bounds = array<i64: 2048, 1024>}, {transform_indices = @transform_1, window_bounds = array<i64: 1024, 640>}, {transform_indices = @transform_2, window_bounds = array<i64: 2048, 640>}]} {
    %get3A = arith.constant 0 : index
    %get3A_0 = arith.constant 0 : index
    %get3A_1 = vector.load %arg1[%get3A, %get3A_0] : memref<2048x1024xf32, #tpu.memory_space<vmem>>, vector<2048x1024xf32>
    %get3A_2 = arith.constant 0 : index
    %get3A_3 = arith.constant 0 : index
    %get3A_4 = vector.load %arg2[%get3A_2, %get3A_3] : memref<1024x640xf32, #tpu.memory_space<vmem>>, vector<1024x640xf32>
    %dot_general3A = arith.constant dense<0.000000e+00> : vector<2048x640xf32>
    %dot_general3A_5 = tpu.matmul %get3A_1, %get3A_4, %dot_general3A {dimension_numbers = #tpu.dot_dimension_numbers<[1], [0], [0], [1], [0, 0, 1, 1], [], []>, transpose_lhs_hint = false} : vector<2048x1024xf32>, vector<1024x640xf32>, vector<2048x640xf32> -> vector<2048x640xf32>
    %swap3A = arith.constant 0 : index
    %swap3A_6 = arith.constant 0 : index
    %swap3A_7 = vector.load %arg3[%swap3A, %swap3A_6] : memref<2048x640xf32, #tpu.memory_space<vmem>>, vector<2048x640xf32>
    tpu.vector_store %arg3[%swap3A, %swap3A_6], %dot_general3A_5 {strides = array<i32>} : memref<2048x640xf32, #tpu.memory_space<vmem>>, vector<2048x640xf32>,
    return
  }
  func.func @transform_0(%arg0: i32) -> (i32, i32) {
    %c0_i32 = arith.constant 0 : i32
    %c0_i32_0 = arith.constant 0 : i32
    %c0_i32_1 = arith.constant 0 : i32
    return %c0_i32, %c0_i32_0 : i32, i32
  }
  func.func @transform_1(%arg0: i32) -> (i32, i32) {
    %c0_i32 = arith.constant 0 : i32
    %c0_i32_0 = arith.constant 0 : i32
    return %c0_i32, %arg0 : i32, i32
  }
  func.func @transform_2(%arg0: i32) -> (i32, i32) {
    %c0_i32 = arith.constant 0 : i32
    %c0_i32_0 = arith.constant 0 : i32
    return %c0_i32, %arg0 : i32, i32
  }
}

</mosaic_0001>

<sc_bundles>
// kernel: gather_offload_async_start.1
scs
__scs_entry_jumppad:
0x0: {  	(pc) =	sbr.rel $0x88, $3  }
0x1: {  	(tag) =	ssettag $0x0;
	lr =	simm.s32 $0x1  }
0x2: {  	[smem:$0x3F80] =	sst lr;
	_ =	strace $0xD0000000  }
0x3: {  	_ = 	snop  }
0x4: {  	_ = 	snop  }
0x5: {  	_ = 	snop  }
0x6: {  	_ = 	snop  }
0x7: {  	_ = 	snop  }
__scs_overlays_trampoline_lowered:
0x8: {  	[smem:$0x3F8F] =	sst s0  }
0x9: {  	[smem:$0x3F90] =	sst s1  }
0xa: {  	[smem:$0x3F91] =	sst s2  }
0xb: {  	[smem:$0x3F92] =	sst s3  }
0xc: {  	[smem:$0x3F93] =	sst s4  }
0xd: {  	[smem:$0x3F94] =	sst s5  }
0xe: {  	[smem:$0x3F95] =	sst s6  }
0xf: {  	[smem:$0x3F96] =	sst s7  }
0x10: {  	[smem:$0x3F97] =	sst s8  }
0x11: {  	[smem:$0x3F98] =	sst s9;
	s0 =	simm.s32 @!p0 $0x0  }
0x12: {  	s1 =	sld [smem:$0x3F7E];
	s0 =	simm.s32 @p0 $0x1  }
0x13: {  	[smem:$0x3F99] =	sst s0;
	s0 =	simm.s32 @!p1 $0x0  }
0x14: {  	s2 =	sld [smem:$0x3F7D];
	s0 =	simm.s32 @p1 $0x1  }
0x15: {  	[smem:$0x3F9A] =	sst s0;
	s0 =	simm.s32 @!p2 $0x0  }
0x16: {  	s3 =	sld [smem:$0x3FDB];
	s0 =	simm.s32 @p2 $0x1  }
0x17: {  	s4 =	simm.s32 $0x1BF5;
	[smem:$0x3F9C] =	sst s0  }
0x18: {  	s0 =	sld [smem:$0x3F7F];
	_ =	swait.ge [sflag:s4], $0x0  }
0x19: {  	s7 =	sld [smem:$0x3F80]  }
0x1a: {  	s8 =	sadd.s32 $0xFFFFE003, lr  }
0x1b: {  	s9 =	sadd.s32 $0xFFFFFEF7, lr;
	s5 =	simm.s32 $0xFFFFFFFF;
	p2 =	slt.u32 s8, $0xFFFFF086  }
0x1c: {  	p1 =	slt.u32 s9, $0xF7A;
	s5 =	simm.s32 @!p2 $0x0  }
0x1d: {  	s5 =	simm.s32 @p1 $0x1;
	p0 =	seq.s32 s7, s2  }
0x1e: {  	s7 =	smul.u32 @!p0 $0xF7A, s2;
	p2 =	seq.s32 @!p0 s5, $0x0  }
0x1f: {  	s9 =	smul.u32 $0xF7A, s1;
	s8 =	simm.s32 @!p0 $0x1BF5;
	p2 =	por !p2, p0  }
0x20: {  	[sflag:s8] =	ssyncset.s32 @!p0 $0xFFFFF086;
	s6 =	sadd.s32 @!p0 s3, s7;
	s7 =	simm.s32 @!p0 $0x108  }
0x21: {  	s3 =	sadd.s32 s3, s9;
	s6 =	sadd.s32 @!p0 $0x88, s6;
	s7 =	simm.s32 @p2 $0x1082  }
0x22: {  	[simem:s7], [sflag:s8] =	dma.local @!p0 [hbm:s6], $0xF7A  }
0x23: {  	s9 =	sor.u32 $0xD0000000, s2;
	s6 =	simm.s32 $0x108;
	_ =	swait.ge @!p0 [sflag:s8], $0x0  }
0x24: {  	s3 =	sadd.s32 $0x88, s3;
	s6 =	simm.s32 @!p1 $0x1082;
	[sflag:s4] =	ssyncset.s32 $0xFFFFF086  }
0x25: {  	[simem:s6], [sflag:s4] =	dma.local [hbm:s3], $0xF7A  }
0x26: {  	[smem:$0x3F80] =	sst s1;
	(tag) =	ssettag s2;
	_ =	strace s9  }
0x27: {  	s1 =	sld [smem:$0x3F90]  }
0x28: {  	s2 =	sld [smem:$0x3F91]  }
0x29: {  	s4 =	sld [smem:$0x3F93]  }
0x2a: {  	p0 =	seq.s32 s5, $0x0;
	s5 =	sld [smem:$0x3F94]  }
0x2b: {  	s6 =	sld [smem:$0x3F95]  }
0x2c: {  	s7 =	sld [smem:$0x3F96]  }
0x2d: {  	s3 =	simm.s32 $0x108;
	s8 =	sld [smem:$0x3F97]  }
0x2e: {  	s3 =	simm.s32 @!p0 $0x1082;
	s9 =	sld [smem:$0x3F98]  }
0x2f: {  	lr =	sadd.s32 s0, s3;
	s0 =	sld [smem:$0x3F8F]  }
0x30: {  	s3 =	sld [smem:$0x3F92]  }
0x31: {  	[smem:$0x3F9B] =	sst s10  }
0x32: {  	s10 =	sld [smem:$0x3F99];
	_ =	sdelay $0x3  }
0x33: {  	p0 =	seq.s32 s10, $0x1;
	s10 =	sld [smem:$0x3F9B];
	_ =	sdelay $0x3  }
0x34: {  	[smem:$0x3F9B] =	sst s10  }
0x35: {  	s10 =	sld [smem:$0x3F9A];
	_ =	sdelay $0x3  }
0x36: {  	p1 =	seq.s32 s10, $0x1;
	s10 =	sld [smem:$0x3F9B];
	_ =	sdelay $0x3  }
0x37: {  	[smem:$0x3F9B] =	sst s10  }
0x38: {  	s10 =	sld [smem:$0x3F9C]  }
0x39: {  	_ = 	snop;
	(pc) =	sbr.ind lr, $3  }
0x3a: {  	_ = 	snop  }
0x3b: {  	_ = 	snop  }
0x3c: {  	p2 =	seq.s32 s10, $0x1;
	s10 =	sld [smem:$0x3F9B]  }
0x3d: {  	_ =	shalt  }
0x3e: {  	_ =	shalt  }
0x3f: {  	_ =	shalt  }
0x40: {  	_ =	shalt  }
0x41: {  	_ =	shalt  }
0x42: {  	_ =	shalt  }
0x43: {  	_ =	shalt  }
0x44: {  	_ =	shalt  }
0x45: {  	_ =	shalt  }
0x46: {  	_ =	shalt  }
0x47: {  	_ =	shalt  }
0x48: {  	_ =	shalt  }
0x49: {  	_ =	shalt  }
0x4a: {  	_ =	shalt  }
0x4b: {  	_ =	shalt  }
0x4c: {  	_ =	shalt  }
0x4d: {  	_ =	shalt  }
0x4e: {  	_ =	shalt  }
0x4f: {  	_ =	shalt  }
0x50: {  	_ =	shalt  }
0x51: {  	_ =	shalt  }
0x52: {  	_ =	shalt  }
0x53: {  	_ =	shalt  }
0x54: {  	_ =	shalt  }
0x55: {  	_ =	shalt  }
0x56: {  	_ =	shalt  }
0x57: {  	_ =	shalt  }
0x58: {  	_ =	shalt  }
0x59: {  	_ =	shalt  }
0x5a: {  	_ =	shalt  }
0x5b: {  	_ =	shalt  }
0x5c: {  	_ =	shalt  }
0x5d: {  	_ =	shalt  }
0x5e: {  	_ =	shalt  }
0x5f: {  	_ =	shalt  }
0x60: {  	_ =	shalt  }
0x61: {  	_ =	shalt  }
0x62: {  	_ =	shalt  }
0x63: {  	_ =	shalt  }
0x64: {  	_ =	shalt  }
0x65: {  	_ =	shalt  }
0x66: {  	_ =	shalt  }
0x67: {  	_ =	shalt  }
0x68: {  	_ =	shalt  }
0x69: {  	_ =	shalt  }
0x6a: {  	_ =	shalt  }
0x6b: {  	_ =	shalt  }
0x6c: {  	_ =	shalt  }
0x6d: {  	_ =	shalt  }
0x6e: {  	_ =	shalt  }
0x6f: {  	_ =	shalt  }
0x70: {  	_ =	shalt  }
0x71: {  	_ =	shalt  }
0x72: {  	_ =	shalt  }
0x73: {  	_ =	shalt  }
0x74: {  	_ =	shalt  }
0x75: {  	_ =	shalt  }
0x76: {  	_ =	shalt  }
0x77: {  	_ =	shalt  }
0x78: {  	_ =	shalt  }
0x79: {  	_ =	shalt  }
0x7a: {  	_ =	shalt  }
0x7b: {  	_ =	shalt  }
0x7c: {  	_ =	shalt  }
0x7d: {  	_ =	shalt  }
0x7e: {  	_ =	shalt  }
0x7f: {  	_ =	shalt  }
0x80: {  	_ =	shalt  }
0x81: {  	_ =	shalt  }
0x82: {  	_ =	shalt  }
0x83: {  	_ =	shalt  }
0x84: {  	_ =	shalt  }
0x85: {  	_ =	shalt  }
0x86: {  	_ =	shalt  }
0x87: {  	_ =	shalt  }
.Lfunc_end0:
.L_simem_size_0:
called_computation.1_lowered:
.L_overlay_start_0:
0x88: {  	s2 =	sld [smem:$0x3FD9]  }
0x89: {  	s3 =	sld [smem:$0x3FFE];
	_ =	sdelay $0x1  }
0x8a: {  	s1 =	srdreg.scid  }
0x8b: {  	s0 =	sand.u32 $0x1, s1  }
0x8c: {  	s17 =	sshll.u32 s0, $0xA;
	s2 =	sadd.s32 s3, s2  }
0x8d: {  	s2 =	sadd.s32 s2, s17  }
0x8e: {  	[smem:$0x3FA7] =	sst s2  }
0x8f: {  	_ = 	snop  }
0x90: {  	s2 =	sld [smem:$0x3FD0];
	(tm) =	ssettm $0x1  }
0x91: {  	s18 =	sld [smem:$0x3FFB];
	_ =	sdelay $0x3  }
0x92: {  	_ =	strace s18  }
0x93: {  	s3 =	sld [smem:$0x3FFC];
	_ =	sdelay $0x3  }
0x94: {  	_ =	strace s3  }
0x95: {  	s3 =	sld [smem:$0x3FFD];
	_ =	sdelay $0x3  }
0x96: {  	_ =	strace s3  }
0x97: {  	_ =	strace $0x8FFFFFFF  }
0x98: {  	s19 =	sld [smem:$0x3FDB];
	_ =	sdelay $0x1  }
0x99: {  	s4 =	simm.s32 $_scs_section_size  }
0x9a: {  	s5 =	simm.s32 $_size__tile_overlayer_lowered;
	s6 =	simm.s32 $_tile_overlayer_lowered  }
0x9b: {  	s22 =	simm.s32 $0x1BFF;
	s21 =	sshll.u32 s6, $0x1;
	s3 =	sadd.s32 s4, s19  }
0x9c: {  	s7 =	simm.s32 $0x0;
	s20 =	sshll.u32 s5, $0x1;
	s5 =	sadd.s32 s21, s3  }
0x9d: {  	[timem:s7], [sflag:s22] =	dma.local [hbm:s5], s20  }
0x9e: {  	_ =	swait.ge [sflag:s22], s20  }
0x9f: {  	s4 =	ssub.s32 $0x0, s20;
	[sflag:s22] =	ssyncset.done $0x0  }
0xa0: {  	[sflag:s22] =	ssyncadd.s32 s4;
	_ =	sdelay $0x1  }
0xa1: {  	s23 =	simm.s32 $0x1B8B  }
0xa2: {  	_ =	swait.ge [sflag:s23], $0x1  }
0xa3: {  	[sflag:s23] =	ssyncset.done $0x0  }
0xa4: {  	s25 =	simm.s32 $0x1B8E;
	s24 =	sld [smem:$0x3FFE];
	[sflag:s23] =	ssyncadd.s32 $0xFFFFFFFF  }
0xa5: {  	s26 =	simm.s32 $execute0_lowered;
	[smem:$0x3FD2] =	sst s25  }
0xa6: {  	s5 =	sshll.u32 s26, $0x1;
	_ =	strace $0x80000049;
	[dreg:$0x1] =	wrdreg $0xFFFFFFFF  }
0xa7: {  	s28 =	simm.s32 $_size_execute0_lowered;
	s3 =	sadd.s32 s3, s5;
	[dreg:$0x0] =	wrdreg $0x0  }
0xa8: {  	s5 =	sshll.u32 s28, $0x1;
	[dreg:$0x2] =	wrdreg s3  }
0xa9: {  	[dreg:$0x3] =	wrdreg s5  }
0xaa: {  	[dreg:$0x4] =	wrdreg $0xC0  }
0xab: {  	_ =	task [dreg:s7], $0x5FFFF  }
0xac: {  	[dreg:$0x1] =	wrdreg $0xFFFFFFFF  }
0xad: {  	[dreg:$0x0] =	wrdreg $0x60  }
0xae: {  	[dreg:$0x2] =	wrdreg s2  }
0xaf: {  	[dreg:$0x3] =	wrdreg s24  }
0xb0: {  	[dreg:$0x4] =	wrdreg $0x9  }
0xb1: {  	_ =	task.clear_ibuf [dreg:s7], $0x5FFFF;
	_ =	strace $0x90000049  }
0xb2: {  	s29 =	simm.s32 $0x9;
	_ =	strace $0x8000004B  }
0xb3: {  	_ =	swait.ge [sflag:s29], $0x1  }
0xb4: {  	[sflag:s29] =	ssyncadd.s32 $0xFFFFFFFF  }
0xb5: {  	_ =	strace $0x9000004B  }
0xb6: {  	_ =	sfence  }
0xb7: {  	s30 =	sld [smem:$0x0];
	_ =	sdelay $0x2  }
0xb8: {  	s31 =	sshll.u32 s1, $0xD;
	s1 =	sshrl.u32 s1, $0x2  }
0xb9: {  	s3 =	sand.u32 $0x4000, s31;
	s1 =	sadd.s32 s1, s30  }
0xba: {  	s0 =	sor.u32 s3, s0;
	s1 =	sshll.u32 s1, $0x11  }
0xbb: {  	s0 =	sor.u32 s1, s0  }
0xbc: {  	s0 =	sadd.s32 $0x8F2B, s0  }
0xbd: {  	[sflag:s0] =	ssyncadd.remote.s32 $0x1  }
0xbe: {  	_ =	sfence.sel $0xFFFF  }
0xbf: {  	[dreg:$0x0] =	wrdreg $0xFFFFFFFF;
	(pc) =	sbr.abs _section_cstart, $3  }
0xc0: {  	[dreg:$0x1] =	wrdreg $0xFFFFFFFF  }
0xc1: {  	_ =	task.clear_ibuf [dreg:s7], $0x2FFFF;
	_ =	strace $0x9FFFFFFF  }
0xc2: {  	(tm) =	ssettm $0x7FFFFFFF  }
0xc3: {  	_ =	shalt  }
tec
execute0_lowered:
.L_overlay_start_1:
0x0: {  	(tag) =	ssettag $0x1  }
0x1: {  	s1 =	srdreg.scid;
	s2 =	rddreg [dreg:$0x0]  }
0x2: {  	s0 =	stileid.u32;
	s5 =	rddreg [dreg:$0x1];
	s6 =	simm.s32 $0x1  }
0x3: {  	s9 =	simm.s32 $0x1;
	s10 =	simm.s32 $0x3;
	s1 =	sshll.u32 s1, $0x6  }
0x4: {  	s13 =	simm.s32 $0x0;
	s3 =	sshll.u32 s0, $0x7;
	s4 =	sand.u32 $0x40, s1  }
0x5: {  	s12 =	simm.s32 $0x0;
	s1 =	rddreg [dreg:$0x2];
	s3 =	sor.u32 s3, s4  }
0x6: {  	_ =	strace $0x8000004A;
	s4 =	sadd.s32 $0x81200, s5;
	s8 =	ssub.s32 $0x1000, s3  }
.Ltmp0:
0x7: {  	s5 =	sadd.s32 $0x81400, s5;
	s7 =	sand.u32 $0x7C0, s8;
	(pc) =	sbr.rel .LBB2_1-.Ltmp0, $4  }
0x8: {  	[sflag:s6] =	ssyncpa.u1 $0x0;
	s11 =	smov.u32 s3;
	p0 =	sne.s32 s7, $0x0  }
0x9: {  	s8 =	sshrl.u32 s8, $0xB;
	s7 =	simm.s32 $0x2;
	s9 =	simm.s32 @!p0 $0x0  }
0xa: {  	[sflag:s7] =	ssyncpa.u1 $0x0;
	p0 =	por $0x0, $0x0;
	s8 =	sadd.s32 s9, s8  }
0xb: {  	vm0 =	vmmov $0xffff;
	[sflag:s10] =	ssyncpa.u1 $0x0;
	s10 =	simm.s32 $0x0;
	s9 =	sadd.s32 $0x1, s8  }
.LBB2_4:
0xc: {  	v5 =	vshrl.u32 v1, $0xC;
	v6 =	vshll.u32 v1, $0x7  }
0xd: {  	vm1 =	veq.s32 v1, $0x80000000;
	v58 =	vand.u32 $0x7, v5;
	v59 =	vand.u32 $0x7FF80, v6  }
0xe: {  	v1 =	vsel vm1, $0xFFFFFFFF, v58;
	v5 =	vsel vm1, $0xFFFFFF80, v59  }
0xf: {  	v3 =	vor.u32 v4, v3;
	v60 =	vand.u32 $0xFFFFFC00, v5;
	v61 =	vand.u32 $0xFFFFFC00, v1  }
0x10: {  	v2 =	vor.u32 v2, v3;
	v63 =	vand.u32 $0x380, v5;
	v62 =	vadd.s32 v61, v60  }
0x11: {  	v1 =	vand.u32 $0x7F, v1;
	v3 =	vor.u32 v63, v62  }
0x12: {  	v1 =	vor.u32 v1, v3  }
0x13: {  	[tilespmem:s15], [sflag:$0x1] =	stream.indirect_vreg.gather [hbm4b:s2+s10], $0x1, v0, vm0, $0x4038;
	[tilespmem:$0x100] =	vst v63  }
0x14: {  	(ifvalue) =	ssetifvalue $0x7FFFFFFF  }
0x15: {  	[tilespmem:s16], [sflag:$0x1] =	stream.indirect_vreg.gather [hbm4b:s2+s10], $0x1, v2, vm0, $0x4038;
	[tilespmem:$0x100] =	vst v63  }
0x16: {  	s29 =	sadd.s32 $0x10, s16;
	(ifvalue) =	ssetifvalue $0x7FFFFFFF  }
0x17: {  	[tilespmem:s29], [sflag:$0x1] =	stream.indirect_vreg.gather [hbm4b:s2+s10], $0x1, v1, vm0, $0x4038;
	[tilespmem:$0x100] =	vst v63  }
0x18: {  	_ =	swait.ge [sflag:s6], $0x40  }
0x19: {  	s30 =	sshrl.u32 s13, $0x3;
	[sflag:s6] =	ssyncset.done $0x0  }
0x1a: {  	s31 =	sand.u32 $0x7, s13;
	s15 =	sadd.s32 s5, s30;
	[sflag:s6] =	ssyncadd.s32 $0xFFFFFFC0  }
0x1b: {  	[hbm4b:s15+s31] =	stream.linear.scatter [tilespmem:s14], [sflag:$0x3], $0x40, $0x38;
	[tilespmem:$0x100] =	vst v63  }
.LBB2_5:
0x1c: {  	s15 =	sadd.s32 $0x800, s11  }
0x1d: {  	p2 =	sgt.s32 s15, $0xFFF  }
0x1e: {  	s15 =	smov.u32 @p2 s3;
	p2 =	sne.s32 s12, s9  }
.Ltmp1:
0x1f: {  	p1 =	slt.u32 s12, $0x2;
	(pc) =	sbr.rel @!p2 .LBB2_6-.Ltmp1, $4  }
0x20: {  	s14 =	simm.s32 @!p1 $0x3  }
0x21: {  	s16 =	sadd.s32 $0x1, s12;
	_ =	swait.ge @!p1 [sflag:s14], $0x40  }
0x22: {  	s13 =	smov.u32 s11;
	p0 =	por !p0, !p0;
	[sflag:s14] =	ssyncset.done @!p1 $0x0  }
0x23: {  	s12 =	smov.u32 s16;
	s11 =	smov.u32 s15;
	[sflag:s14] =	ssyncadd.s32 @!p1 $0xFFFFFFC0  }
.LBB2_1:
0x24: {  	p1 =	sge.u32 s12, s8  }
0x25: {  	s14 =	sxor.u32 @!p1 $0xFFFFFFFF, s12  }
0x26: {  	s31 =	sadd.s32 $0xFFFFFFFF, s12;
	s15 =	sshrl.u32 @!p1 s11, $0x3;
	s14 =	sshll.u32 @!p1 s14, $0x6  }
0x27: {  	s16 =	sand.u32 @!p1 $0x7, s11;
	s15 =	sadd.s32 @!p1 s4, s15;
	s14 =	sand.u32 @!p1 $0x40, s14  }
0x28: {  	[tilespmem:s14], [sflag:$0x2] =	stream.linear.gather @!p1 [hbm4b:s15+s16], $0x40, $0x38;
	[tilespmem:$0x100] =	vst v63  }
0x29: {  	p1 =	sge.u32 s31, s8  }
.Ltmp2:
0x2a: {  	_ = 	snop;
	(pc) =	sbr.rel @p1 .LBB2_5-.Ltmp2, $1  }
0x2b: {  	_ =	sdelay $0x3  }
0x2c: {  	s14 =	simm.s32 $0x1  }
0x2d: {  	_ =	swait.ge [sflag:s7], $0x40;
	s14 =	simm.s32 @!p0 $0x0  }
0x2e: {  	[sflag:s7] =	ssyncset.done $0x0;
	s14 =	sshll.u32 s14, $0x6  }
0x2f: {  	[sflag:s7] =	ssyncadd.s32 $0xFFFFFFC0;
	(ifvalue) =	ssetifvalue $0x7FFFFFFF;
	v0 =	vld.msk [tilespmem:s14+$0x0 ss:$0x1], $0xffff;
	_ =	sdelay $0x4  }
0x30: {  	s15 =	sadd.s32 $0x10, s14;
	v2 =	vshrl.u32 v0, $0xC;
	v3 =	vshll.u32 v0, $0x7  }
0x31: {  	v1 =	vld.msk [tilespmem:s15+$0x0 ss:$0x1], $0xffff;
	vm1 =	veq.s32 v0, $0x80000000;
	v0 =	vand.u32 $0x7, v2;
	v2 =	vand.u32 $0x7FF80, v3  }
0x32: {  	v0 =	vsel vm1, $0xFFFFFFFF, v0;
	v2 =	vsel vm1, $0xFFFFFF80, v2  }
0x33: {  	v3 =	vand.u32 $0xFFFFFC00, v2;
	v4 =	vand.u32 $0xFFFFFC00, v0  }
0x34: {  	v2 =	vand.u32 $0x380, v2;
	v3 =	vadd.s32 v4, v3  }
0x35: {  	v0 =	vand.u32 $0x7F, v0;
	v2 =	vor.u32 v2, v3  }
0x36: {  	v5 =	vshll.u32 v1, $0x7;
	v4 =	vshrl.u32 v1, $0xC;
	v0 =	vor.u32 v0, v2  }
0x37: {  	s16 =	sshll.u32 s12, $0x6;
	vm1 =	veq.s32 v1, $0x80000000;
	v1 =	vand.u32 $0x7, v4;
	v4 =	vand.u32 $0x7FF80, v5  }
0x38: {  	s16 =	sand.u32 $0x40, s16;
	s18 =	sadd.s32 $0x10, s15;
	v3 =	vsel vm1, $0xFFFFFFFF, v1;
	v4 =	vsel vm1, $0xFFFFFF80, v4  }
0x39: {  	s17 =	simm.s32 $0x20;
	s15 =	sor.u32 $0x80, s14;
	s14 =	sor.u32 $0x80, s16;
	v1 =	vld.msk [tilespmem:s18+$0x0 ss:$0x1], $0xffff;
	v5 =	vand.u32 $0xFFFFFC00, v4;
	v6 =	vand.u32 $0xFFFFFC00, v3  }
0x3a: {  	s16 =	sadd.s32 $0x10, s15;
	s18 =	sadd.s32 $0x10, s18;
	(ifvalue) =	ssetifvalue $0x7FFFFFFF;
	v2 =	vand.u32 $0x7F, v3;
	v4 =	vand.u32 $0x380, v4;
	v3 =	vadd.s32 v6, v5  }
.LBB2_3:
0x3b: {  	[tilespmem:s15], [sflag:$0x1] =	stream.indirect_vreg.gather [hbm4b:s2+s10], $0x1, v0, vm0, $0x4038;
	[tilespmem:$0x100] =	vst v63  }
0x3c: {  	s17 =	sadd.s32 $0x10, s17  }
0x3d: {  	v3 =	vor.u32 v4, v3;
	p1 =	slt.u32 s17, $0x30  }
.Ltmp3:
0x3e: {  	v4 =	vshrl.u32 v1, $0xC;
	v5 =	vshll.u32 v1, $0x7;
	s15 =	smov.u32 s16;
	v0 =	vor.u32 v2, v3;
	v2 =	vmovc v1;
	v1 =	vld.msk [tilespmem:s18+$0x0 ss:$0x1], $0xffff;
	(pc) =	sbr.rel @p1 .LBB2_3-.Ltmp3, $4  }
0x3f: {  	v3 =	vand.u32 $0x7FF80, v5;
	vm1 =	veq.s32 v2, $0x80000000;
	v2 =	vand.u32 $0x7, v4  }
0x40: {  	v4 =	vsel vm1, $0xFFFFFFFF, v2;
	v5 =	vsel vm1, $0xFFFFFF80, v3  }
0x41: {  	v2 =	vand.u32 $0x7F, v4;
	v3 =	vand.u32 $0xFFFFFC00, v5;
	v4 =	vand.u32 $0xFFFFFC00, v4  }
0x42: {  	s16 =	sadd.s32 $0x10, s16;
	s18 =	sadd.s32 $0x10, s18;
	v3 =	vadd.s32 v4, v3;
	v4 =	vand.u32 $0x380, v5;
	(ifvalue) =	ssetifvalue $0x7FFFFFFF  }
.Ltmp4:
0x43: {  	_ = 	snop;
	(pc) =	sbr.rel .LBB2_4-.Ltmp4, $1  }
0x44: {  	_ =	sdelay $0x3  }
.LBB2_6:
0x45: {  	_ =	sfence.sel $0x180000  }
0x46: {  	s2 =	simm.s32 $0x2;
	[bflag:$0x0] =	sbarrier.arrive $0xFFFF  }
0x47: {  	s30 =	simm.s32 $0x3;
	[sflag:s2] =	ssyncpa.u1 $0x1  }
0x48: {  	s31 =	simm.s32 $0x1;
	[sflag:s30] =	ssyncpa.u1 $0x1  }
0x49: {  	[sflag:s31] =	ssyncpa.u1 $0x1  }
0x4a: {  	p0 =	sne.s32 s0, $0x0;
	_ =	strace $0x9000004A  }
0x4b: {  	s0 =	sadd.s32 @!p0 $0x100000, s1;
	[bflag:$0x2] =	sbarrier.arrive $0xFFFF  }
0x4c: {  	[sflag:s0] =	ssyncadd.tile.s32 @!p0 $0x1;
	_ =	shalt  }
.Lfunc_end2:
_tile_overlayer_lowered:
.L_overlay_start_2:
0x4d: {  	(tag) =	ssettag $0x2  }
0x4e: {  	s0 =	rddreg [dreg:$0x0];
	s2 =	stileid.u32  }
0x4f: {  	s1 =	rddreg [dreg:$0x1];
	p0 =	sne.s32 s2, $0x0  }
0x50: {  	s3 =	rddreg [dreg:$0x2];
	[bflag:$0x3] =	sbarrier.arrive $0xFFFF;
	s2 =	simm.s32 @!p0 $0x1C01  }
0x51: {  	[timem:s3], [sflag:s2] =	dma.local @!p0 [hbm:s0], s1  }
0x52: {  	s0 =	simm.s32 @!p0 $0x1  }
0x53: {  	_ =	swait.ge @!p0 [sflag:s0], s1  }
0x54: {  	s1 =	ssub.s32 @!p0 $0x0, s1;
	[sflag:s0] =	ssyncset.done @!p0 $0x0  }
0x55: {  	[sflag:s0] =	ssyncadd.s32 @!p0 s1  }
0x56: {  	[bflag:$0x3] =	sbarrier.arrive $0xFFFF  }
0x57: {  	_ =	shalt  }

// kernel: gather_offload_async_start
scs
__scs_entry_jumppad:
0x0: {  	(pc) =	sbr.rel $0x88, $3  }
0x1: {  	(tag) =	ssettag $0x0;
	lr =	simm.s32 $0x1  }
0x2: {  	[smem:$0x3F80] =	sst lr;
	_ =	strace $0xD0000000  }
0x3: {  	_ = 	snop  }
0x4: {  	_ = 	snop  }
0x5: {  	_ = 	snop  }
0x6: {  	_ = 	snop  }
0x7: {  	_ = 	snop  }
__scs_overlays_trampoline_lowered:
0x8: {  	[smem:$0x3F8F] =	sst s0  }
0x9: {  	[smem:$0x3F90] =	sst s1  }
0xa: {  	[smem:$0x3F91] =	sst s2  }
0xb: {  	[smem:$0x3F92] =	sst s3  }
0xc: {  	[smem:$0x3F93] =	sst s4  }
0xd: {  	[smem:$0x3F94] =	sst s5  }
0xe: {  	[smem:$0x3F95] =	sst s6  }
0xf: {  	[smem:$0x3F96] =	sst s7  }
0x10: {  	[smem:$0x3F97] =	sst s8  }
0x11: {  	[smem:$0x3F98] =	sst s9;
	s0 =	simm.s32 @!p0 $0x0  }
0x12: {  	s1 =	sld [smem:$0x3F7E];
	s0 =	simm.s32 @p0 $0x1  }
0x13: {  	[smem:$0x3F99] =	sst s0;
	s0 =	simm.s32 @!p1 $0x0  }
0x14: {  	s2 =	sld [smem:$0x3F7D];
	s0 =	simm.s32 @p1 $0x1  }
0x15: {  	[smem:$0x3F9A] =	sst s0;
	s0 =	simm.s32 @!p2 $0x0  }
0x16: {  	s3 =	sld [smem:$0x3FDB];
	s0 =	simm.s32 @p2 $0x1  }
0x17: {  	s4 =	simm.s32 $0x1BF5;
	[smem:$0x3F9C] =	sst s0  }
0x18: {  	s0 =	sld [smem:$0x3F7F];
	_ =	swait.ge [sflag:s4], $0x0  }
0x19: {  	s7 =	sld [smem:$0x3F80]  }
0x1a: {  	s8 =	sadd.s32 $0xFFFFE003, lr  }
0x1b: {  	s9 =	sadd.s32 $0xFFFFFEF7, lr;
	s5 =	simm.s32 $0xFFFFFFFF;
	p2 =	slt.u32 s8, $0xFFFFF086  }
0x1c: {  	p1 =	slt.u32 s9, $0xF7A;
	s5 =	simm.s32 @!p2 $0x0  }
0x1d: {  	s5 =	simm.s32 @p1 $0x1;
	p0 =	seq.s32 s7, s2  }
0x1e: {  	s7 =	smul.u32 @!p0 $0xF7A, s2;
	p2 =	seq.s32 @!p0 s5, $0x0  }
0x1f: {  	s9 =	smul.u32 $0xF7A, s1;
	s8 =	simm.s32 @!p0 $0x1BF5;
	p2 =	por !p2, p0  }
0x20: {  	[sflag:s8] =	ssyncset.s32 @!p0 $0xFFFFF086;
	s6 =	sadd.s32 @!p0 s3, s7;
	s7 =	simm.s32 @!p0 $0x108  }
0x21: {  	s3 =	sadd.s32 s3, s9;
	s6 =	sadd.s32 @!p0 $0x88, s6;
	s7 =	simm.s32 @p2 $0x1082  }
0x22: {  	[simem:s7], [sflag:s8] =	dma.local @!p0 [hbm:s6], $0xF7A  }
0x23: {  	s9 =	sor.u32 $0xD0000000, s2;
	s6 =	simm.s32 $0x108;
	_ =	swait.ge @!p0 [sflag:s8], $0x0  }
0x24: {  	s3 =	sadd.s32 $0x88, s3;
	s6 =	simm.s32 @!p1 $0x1082;
	[sflag:s4] =	ssyncset.s32 $0xFFFFF086  }
0x25: {  	[simem:s6], [sflag:s4] =	dma.local [hbm:s3], $0xF7A  }
0x26: {  	[smem:$0x3F80] =	sst s1;
	(tag) =	ssettag s2;
	_ =	strace s9  }
0x27: {  	s1 =	sld [smem:$0x3F90]  }
0x28: {  	s2 =	sld [smem:$0x3F91]  }
0x29: {  	s4 =	sld [smem:$0x3F93]  }
0x2a: {  	p0 =	seq.s32 s5, $0x0;
	s5 =	sld [smem:$0x3F94]  }
0x2b: {  	s6 =	sld [smem:$0x3F95]  }
0x2c: {  	s7 =	sld [smem:$0x3F96]  }
0x2d: {  	s3 =	simm.s32 $0x108;
	s8 =	sld [smem:$0x3F97]  }
0x2e: {  	s3 =	simm.s32 @!p0 $0x1082;
	s9 =	sld [smem:$0x3F98]  }
0x2f: {  	lr =	sadd.s32 s0, s3;
	s0 =	sld [smem:$0x3F8F]  }
0x30: {  	s3 =	sld [smem:$0x3F92]  }
0x31: {  	[smem:$0x3F9B] =	sst s10  }
0x32: {  	s10 =	sld [smem:$0x3F99];
	_ =	sdelay $0x3  }
0x33: {  	p0 =	seq.s32 s10, $0x1;
	s10 =	sld [smem:$0x3F9B];
	_ =	sdelay $0x3  }
0x34: {  	[smem:$0x3F9B] =	sst s10  }
0x35: {  	s10 =	sld [smem:$0x3F9A];
	_ =	sdelay $0x3  }
0x36: {  	p1 =	seq.s32 s10, $0x1;
	s10 =	sld [smem:$0x3F9B];
	_ =	sdelay $0x3  }
0x37: {  	[smem:$0x3F9B] =	sst s10  }
0x38: {  	s10 =	sld [smem:$0x3F9C]  }
0x39: {  	_ = 	snop;
	(pc) =	sbr.ind lr, $3  }
0x3a: {  	_ = 	snop  }
0x3b: {  	_ = 	snop  }
0x3c: {  	p2 =	seq.s32 s10, $0x1;
	s10 =	sld [smem:$0x3F9B]  }
0x3d: {  	_ =	shalt  }
0x3e: {  	_ =	shalt  }
0x3f: {  	_ =	shalt  }
0x40: {  	_ =	shalt  }
0x41: {  	_ =	shalt  }
0x42: {  	_ =	shalt  }
0x43: {  	_ =	shalt  }
0x44: {  	_ =	shalt  }
0x45: {  	_ =	shalt  }
0x46: {  	_ =	shalt  }
0x47: {  	_ =	shalt  }
0x48: {  	_ =	shalt  }
0x49: {  	_ =	shalt  }
0x4a: {  	_ =	shalt  }
0x4b: {  	_ =	shalt  }
0x4c: {  	_ =	shalt  }
0x4d: {  	_ =	shalt  }
0x4e: {  	_ =	shalt  }
0x4f: {  	_ =	shalt  }
0x50: {  	_ =	shalt  }
0x51: {  	_ =	shalt  }
0x52: {  	_ =	shalt  }
0x53: {  	_ =	shalt  }
0x54: {  	_ =	shalt  }
0x55: {  	_ =	shalt  }
0x56: {  	_ =	shalt  }
0x57: {  	_ =	shalt  }
0x58: {  	_ =	shalt  }
0x59: {  	_ =	shalt  }
0x5a: {  	_ =	shalt  }
0x5b: {  	_ =	shalt  }
0x5c: {  	_ =	shalt  }
0x5d: {  	_ =	shalt  }
0x5e: {  	_ =	shalt  }
0x5f: {  	_ =	shalt  }
0x60: {  	_ =	shalt  }
0x61: {  	_ =	shalt  }
0x62: {  	_ =	shalt  }
0x63: {  	_ =	shalt  }
0x64: {  	_ =	shalt  }
0x65: {  	_ =	shalt  }
0x66: {  	_ =	shalt  }
0x67: {  	_ =	shalt  }
0x68: {  	_ =	shalt  }
0x69: {  	_ =	shalt  }
0x6a: {  	_ =	shalt  }
0x6b: {  	_ =	shalt  }
0x6c: {  	_ =	shalt  }
0x6d: {  	_ =	shalt  }
0x6e: {  	_ =	shalt  }
0x6f: {  	_ =	shalt  }
0x70: {  	_ =	shalt  }
0x71: {  	_ =	shalt  }
0x72: {  	_ =	shalt  }
0x73: {  	_ =	shalt  }
0x74: {  	_ =	shalt  }
0x75: {  	_ =	shalt  }
0x76: {  	_ =	shalt  }
0x77: {  	_ =	shalt  }
0x78: {  	_ =	shalt  }
0x79: {  	_ =	shalt  }
0x7a: {  	_ =	shalt  }
0x7b: {  	_ =	shalt  }
0x7c: {  	_ =	shalt  }
0x7d: {  	_ =	shalt  }
0x7e: {  	_ =	shalt  }
0x7f: {  	_ =	shalt  }
0x80: {  	_ =	shalt  }
0x81: {  	_ =	shalt  }
0x82: {  	_ =	shalt  }
0x83: {  	_ =	shalt  }
0x84: {  	_ =	shalt  }
0x85: {  	_ =	shalt  }
0x86: {  	_ =	shalt  }
0x87: {  	_ =	shalt  }
.Lfunc_end0:
.L_simem_size_0:
called_computation_lowered:
.L_overlay_start_0:
0x88: {  	s2 =	sld [smem:$0x3FD9]  }
0x89: {  	s3 =	sld [smem:$0x3FFE];
	_ =	sdelay $0x1  }
0x8a: {  	s1 =	srdreg.scid  }
0x8b: {  	s0 =	sand.u32 $0x1, s1  }
0x8c: {  	s16 =	sshll.u32 s0, $0xA;
	s2 =	sadd.s32 s3, s2  }
0x8d: {  	s2 =	sadd.s32 s2, s16  }
0x8e: {  	[smem:$0x3FA7] =	sst s2  }
0x8f: {  	_ = 	snop  }
0x90: {  	(tm) =	ssettm $0x1  }
0x91: {  	s17 =	sld [smem:$0x3FFB];
	_ =	sdelay $0x3  }
0x92: {  	_ =	strace s17  }
0x93: {  	s2 =	sld [smem:$0x3FFC];
	_ =	sdelay $0x3  }
0x94: {  	_ =	strace s2  }
0x95: {  	s2 =	sld [smem:$0x3FFD];
	_ =	sdelay $0x3  }
0x96: {  	_ =	strace s2  }
0x97: {  	_ =	strace $0x8FFFFFFF  }
0x98: {  	s18 =	sld [smem:$0x3FDB];
	_ =	sdelay $0x1  }
0x99: {  	s19 =	simm.s32 $_scs_section_size  }
0x9a: {  	s4 =	simm.s32 $_size__tile_overlayer_lowered;
	s5 =	simm.s32 $_tile_overlayer_lowered  }
0x9b: {  	s22 =	simm.s32 $0x1BFF;
	s21 =	sshll.u32 s5, $0x1;
	s2 =	sadd.s32 s19, s18  }
0x9c: {  	s6 =	simm.s32 $0x0;
	s20 =	sshll.u32 s4, $0x1;
	s4 =	sadd.s32 s21, s2  }
0x9d: {  	[timem:s6], [sflag:s22] =	dma.local [hbm:s4], s20  }
0x9e: {  	_ =	swait.ge [sflag:s22], s20  }
0x9f: {  	s3 =	ssub.s32 $0x0, s20;
	[sflag:s22] =	ssyncset.done $0x0  }
0xa0: {  	[sflag:s22] =	ssyncadd.s32 s3;
	_ =	sdelay $0x1  }
0xa1: {  	s23 =	simm.s32 $0x1B8B  }
0xa2: {  	_ =	swait.ge [sflag:s23], $0x1  }
0xa3: {  	[sflag:s23] =	ssyncset.done $0x0  }
0xa4: {  	s25 =	simm.s32 $0x1B8E;
	s24 =	sld [smem:$0x3FFE];
	[sflag:s23] =	ssyncadd.s32 $0xFFFFFFFF  }
0xa5: {  	s26 =	simm.s32 $execute0_lowered;
	[smem:$0x3FD2] =	sst s25  }
0xa6: {  	s4 =	sshll.u32 s26, $0x1;
	_ =	strace $0x8000004C;
	[dreg:$0x1] =	wrdreg $0xFFFFFFFF  }
0xa7: {  	s28 =	simm.s32 $_size_execute0_lowered;
	s2 =	sadd.s32 s2, s4;
	[dreg:$0x0] =	wrdreg $0x0  }
0xa8: {  	s4 =	sshll.u32 s28, $0x1;
	[dreg:$0x2] =	wrdreg s2  }
0xa9: {  	[dreg:$0x3] =	wrdreg s4  }
0xaa: {  	[dreg:$0x4] =	wrdreg $0xC0  }
0xab: {  	_ =	task [dreg:s6], $0x5FFFF  }
0xac: {  	[dreg:$0x1] =	wrdreg $0xFFFFFFFF  }
0xad: {  	[dreg:$0x0] =	wrdreg $0x60  }
0xae: {  	[dreg:$0x2] =	wrdreg s24  }
0xaf: {  	[dreg:$0x3] =	wrdreg $0x9  }
0xb0: {  	_ =	task.clear_ibuf [dreg:s6], $0x4FFFF;
	_ =	strace $0x9000004C  }
0xb1: {  	s29 =	simm.s32 $0x9;
	_ =	strace $0x8000004E  }
0xb2: {  	_ =	swait.ge [sflag:s29], $0x1  }
0xb3: {  	[sflag:s29] =	ssyncadd.s32 $0xFFFFFFFF  }
0xb4: {  	_ =	strace $0x9000004E  }
0xb5: {  	_ =	sfence  }
0xb6: {  	s30 =	sld [smem:$0x0];
	_ =	sdelay $0x2  }
0xb7: {  	s31 =	sshll.u32 s1, $0xD;
	s1 =	sshrl.u32 s1, $0x2  }
0xb8: {  	s3 =	sand.u32 $0x4000, s31;
	s1 =	sadd.s32 s1, s30  }
0xb9: {  	s0 =	sor.u32 s3, s0;
	s1 =	sshll.u32 s1, $0x11  }
0xba: {  	s0 =	sor.u32 s1, s0  }
0xbb: {  	s0 =	sadd.s32 $0x8F2B, s0  }
0xbc: {  	[sflag:s0] =	ssyncadd.remote.s32 $0x1  }
0xbd: {  	_ =	sfence.sel $0xFFFF  }
0xbe: {  	[dreg:$0x0] =	wrdreg $0xFFFFFFFF;
	(pc) =	sbr.abs _section_cstart, $3  }
0xbf: {  	[dreg:$0x1] =	wrdreg $0xFFFFFFFF  }
0xc0: {  	_ =	task.clear_ibuf [dreg:s6], $0x2FFFF;
	_ =	strace $0x9FFFFFFF  }
0xc1: {  	(tm) =	ssettm $0x7FFFFFFF  }
tec
execute0_lowered:
.L_overlay_start_1:
0x0: {  	(tag) =	ssettag $0x1  }
0x1: {  	s0 =	srdreg.scid;
	s5 =	rddreg [dreg:$0x0]  }
0x2: {  	s1 =	stileid.u32;
	s6 =	simm.s32 $0x1;
	s9 =	simm.s32 $0x1  }
0x3: {  	s10 =	simm.s32 $0x3;
	s13 =	simm.s32 $0x0;
	s2 =	sshll.u32 s0, $0x6  }
0x4: {  	s12 =	simm.s32 $0x0;
	s3 =	sshll.u32 s1, $0x7;
	s2 =	sand.u32 $0x40, s2  }
0x5: {  	s0 =	rddreg [dreg:$0x1];
	_ =	strace $0x8000004D;
	s2 =	sor.u32 s3, s2  }
0x6: {  	s4 =	sadd.s32 $0x80200, s5;
	[sflag:s6] =	ssyncpa.u1 $0x0;
	s8 =	ssub.s32 $0x1000, s2  }
.Ltmp0:
0x7: {  	s3 =	sadd.s32 $0x80000, s5;
	s7 =	sand.u32 $0x7C0, s8;
	(pc) =	sbr.rel .LBB2_1-.Ltmp0, $4  }
0x8: {  	s5 =	sadd.s32 $0x80600, s5;
	s11 =	smov.u32 s2;
	p0 =	sne.s32 s7, $0x0  }
0x9: {  	s8 =	sshrl.u32 s8, $0xB;
	s7 =	simm.s32 $0x2;
	s9 =	simm.s32 @!p0 $0x0  }
0xa: {  	[sflag:s7] =	ssyncpa.u1 $0x0;
	p0 =	por $0x0, $0x0;
	s8 =	sadd.s32 s9, s8  }
0xb: {  	vm0 =	vmmov $0xffff;
	[sflag:s10] =	ssyncpa.u1 $0x0;
	s10 =	simm.s32 $0x0;
	s9 =	sadd.s32 $0x1, s8  }
.LBB2_4:
0xc: {  	v2 =	vnsel vm1, $0x0, v2  }
0xd: {  	vm1 =	vgt.s32 v0, $0x0;
	v2 =	vmin.u32 v2, $0xFFF  }
0xe: {  	v0 =	vnsel vm1, $0x0, v0  }
0xf: {  	v0 =	vmin.u32 v0, $0xFFF  }
0x10: {  	[tilespmem:s15], [sflag:$0x1] =	stream.indirect_vreg.gather [hbm4b:s3+s10], $0x1, v1, vm0, $0x4038;
	[tilespmem:$0x100] =	vst v63  }
0x11: {  	(ifvalue) =	ssetifvalue $0x7FFFFFFF  }
0x12: {  	[tilespmem:s16], [sflag:$0x1] =	stream.indirect_vreg.gather [hbm4b:s3+s10], $0x1, v2, vm0, $0x4038;
	[tilespmem:$0x100] =	vst v63  }
0x13: {  	s29 =	sadd.s32 $0x10, s16;
	(ifvalue) =	ssetifvalue $0x7FFFFFFF  }
0x14: {  	[tilespmem:s29], [sflag:$0x1] =	stream.indirect_vreg.gather [hbm4b:s3+s10], $0x1, v0, vm0, $0x4038;
	[tilespmem:$0x100] =	vst v63  }
0x15: {  	_ =	swait.ge [sflag:s6], $0x40  }
0x16: {  	s30 =	sshrl.u32 s13, $0x3;
	[sflag:s6] =	ssyncset.done $0x0  }
0x17: {  	s31 =	sand.u32 $0x7, s13;
	s15 =	sadd.s32 s5, s30;
	[sflag:s6] =	ssyncadd.s32 $0xFFFFFFC0  }
0x18: {  	[hbm4b:s15+s31] =	stream.linear.scatter [tilespmem:s14], [sflag:$0x3], $0x40, $0x38;
	[tilespmem:$0x100] =	vst v63  }
.LBB2_5:
0x19: {  	s15 =	sadd.s32 $0x800, s11  }
0x1a: {  	p2 =	sgt.s32 s15, $0xFFF  }
0x1b: {  	s15 =	smov.u32 @p2 s2;
	p2 =	sne.s32 s12, s9  }
.Ltmp1:
0x1c: {  	p1 =	slt.u32 s12, $0x2;
	(pc) =	sbr.rel @!p2 .LBB2_6-.Ltmp1, $4  }
0x1d: {  	s14 =	simm.s32 @!p1 $0x3  }
0x1e: {  	s16 =	sadd.s32 $0x1, s12;
	_ =	swait.ge @!p1 [sflag:s14], $0x40  }
0x1f: {  	s13 =	smov.u32 s11;
	p0 =	por !p0, !p0;
	[sflag:s14] =	ssyncset.done @!p1 $0x0  }
0x20: {  	s12 =	smov.u32 s16;
	s11 =	smov.u32 s15;
	[sflag:s14] =	ssyncadd.s32 @!p1 $0xFFFFFFC0  }
.LBB2_1:
0x21: {  	p1 =	sge.u32 s12, s8  }
0x22: {  	s14 =	sxor.u32 @!p1 $0xFFFFFFFF, s12  }
0x23: {  	s31 =	sadd.s32 $0xFFFFFFFF, s12;
	s15 =	sshrl.u32 @!p1 s11, $0x3;
	s14 =	sshll.u32 @!p1 s14, $0x6  }
0x24: {  	s16 =	sand.u32 @!p1 $0x7, s11;
	s15 =	sadd.s32 @!p1 s4, s15;
	s14 =	sand.u32 @!p1 $0x40, s14  }
0x25: {  	[tilespmem:s14], [sflag:$0x2] =	stream.linear.gather @!p1 [hbm4b:s15+s16], $0x40, $0x38;
	[tilespmem:$0x100] =	vst v63  }
0x26: {  	p1 =	sge.u32 s31, s8  }
.Ltmp2:
0x27: {  	_ = 	snop;
	(pc) =	sbr.rel @p1 .LBB2_5-.Ltmp2, $1  }
0x28: {  	_ =	sdelay $0x3  }
0x29: {  	s14 =	simm.s32 $0x1  }
0x2a: {  	_ =	swait.ge [sflag:s7], $0x40;
	s14 =	simm.s32 @!p0 $0x0  }
0x2b: {  	[sflag:s7] =	ssyncset.done $0x0;
	s14 =	sshll.u32 s14, $0x6  }
0x2c: {  	[sflag:s7] =	ssyncadd.s32 $0xFFFFFFC0;
	(ifvalue) =	ssetifvalue $0x7FFFFFFF;
	v0 =	vld.msk [tilespmem:s14+$0x0 ss:$0x1], $0xffff;
	_ =	sdelay $0x4  }
0x2d: {  	s15 =	sadd.s32 $0x10, s14;
	vm1 =	vgt.s32 v0, $0x0  }
0x2e: {  	v2 =	vld.msk [tilespmem:s15+$0x0 ss:$0x1], $0xffff;
	v1 =	vnsel vm1, $0x0, v0  }
0x2f: {  	v1 =	vmin.u32 v1, $0xFFF;
	_ =	sdelay $0x1  }
0x30: {  	s16 =	sshll.u32 s12, $0x6;
	s18 =	simm.s32 $0x20  }
0x31: {  	s16 =	sand.u32 $0x40, s16;
	s17 =	sadd.s32 $0x10, s15;
	s15 =	sor.u32 $0x80, s14  }
0x32: {  	s14 =	sor.u32 $0x80, s16;
	s16 =	sadd.s32 $0x10, s15;
	v0 =	vld.msk [tilespmem:s17+$0x0 ss:$0x1], $0xffff;
	vm1 =	vgt.s32 v2, $0x0;
	(ifvalue) =	ssetifvalue $0x7FFFFFFF  }
.LBB2_3:
0x33: {  	[tilespmem:s15], [sflag:$0x1] =	stream.indirect_vreg.gather [hbm4b:s3+s10], $0x1, v1, vm0, $0x4038;
	[tilespmem:$0x100] =	vst v63  }
0x34: {  	s18 =	sadd.s32 $0x10, s18  }
0x35: {  	v2 =	vnsel vm1, $0x0, v2;
	p1 =	slt.u32 s18, $0x30  }
.Ltmp3:
0x36: {  	s15 =	smov.u32 s16;
	v1 =	vmin.u32 v2, $0xFFF;
	(pc) =	sbr.rel @p1 .LBB2_3-.Ltmp3, $3  }
0x37: {  	_ =	sdelay $0x1  }
0x38: {  	s17 =	sadd.s32 $0x10, s17  }
0x39: {  	vm1 =	vgt.s32 v0, $0x0;
	s16 =	sadd.s32 $0x10, s16;
	v2 =	vmov v0;
	(ifvalue) =	ssetifvalue $0x7FFFFFFF;
	v0 =	vld.msk [tilespmem:s17+$0x0 ss:$0x1], $0xffff  }
.Ltmp4:
0x3a: {  	_ = 	snop;
	(pc) =	sbr.rel .LBB2_4-.Ltmp4, $1  }
0x3b: {  	_ =	sdelay $0x3  }
.LBB2_6:
0x3c: {  	_ =	sfence.sel $0x180000  }
0x3d: {  	s2 =	simm.s32 $0x2;
	[bflag:$0x0] =	sbarrier.arrive $0xFFFF  }
0x3e: {  	s30 =	simm.s32 $0x3;
	[sflag:s2] =	ssyncpa.u1 $0x1  }
0x3f: {  	s31 =	simm.s32 $0x1;
	[sflag:s30] =	ssyncpa.u1 $0x1  }
0x40: {  	[sflag:s31] =	ssyncpa.u1 $0x1  }
0x41: {  	p0 =	sne.s32 s1, $0x0;
	_ =	strace $0x9000004D  }
0x42: {  	s0 =	sadd.s32 @!p0 $0x100000, s0;
	[bflag:$0x2] =	sbarrier.arrive $0xFFFF  }
0x43: {  	[sflag:s0] =	ssyncadd.tile.s32 @!p0 $0x1;
	_ =	shalt  }
.Lfunc_end2:
_tile_overlayer_lowered:
.L_overlay_start_2:
0x44: {  	(tag) =	ssettag $0x2  }
0x45: {  	s0 =	rddreg [dreg:$0x0];
	s2 =	stileid.u32  }
0x46: {  	s1 =	rddreg [dreg:$0x1];
	p0 =	sne.s32 s2, $0x0  }
0x47: {  	s3 =	rddreg [dreg:$0x2];
	[bflag:$0x3] =	sbarrier.arrive $0xFFFF;
	s2 =	simm.s32 @!p0 $0x1C01  }
0x48: {  	[timem:s3], [sflag:s2] =	dma.local @!p0 [hbm:s0], s1  }
0x49: {  	s0 =	simm.s32 @!p0 $0x1  }
0x4a: {  	_ =	swait.ge @!p0 [sflag:s0], s1  }
0x4b: {  	s1 =	ssub.s32 @!p0 $0x0, s1;
	[sflag:s0] =	ssyncset.done @!p0 $0x0  }
0x4c: {  	[sflag:s0] =	ssyncadd.s32 @!p0 s1  }
0x4d: {  	[bflag:$0x3] =	sbarrier.arrive $0xFFFF  }
0x4e: {  	_ =	shalt  }

// kernel: kernel.11.cloned.1.call-start
scs
__scs_entry_jumppad:
0x0: {  	(pc) =	sbr.rel $0x88, $3  }
0x1: {  	(tag) =	ssettag $0x0;
	lr =	simm.s32 $0x1  }
0x2: {  	[smem:$0x3F80] =	sst lr;
	_ =	strace $0xD0000000  }
0x3: {  	_ = 	snop  }
0x4: {  	_ = 	snop  }
0x5: {  	_ = 	snop  }
0x6: {  	_ = 	snop  }
0x7: {  	_ = 	snop  }
__scs_overlays_trampoline_lowered:
0x8: {  	[smem:$0x3F8F] =	sst s0  }
0x9: {  	[smem:$0x3F90] =	sst s1  }
0xa: {  	[smem:$0x3F91] =	sst s2  }
0xb: {  	[smem:$0x3F92] =	sst s3  }
0xc: {  	[smem:$0x3F93] =	sst s4  }
0xd: {  	[smem:$0x3F94] =	sst s5  }
0xe: {  	[smem:$0x3F95] =	sst s6  }
0xf: {  	[smem:$0x3F96] =	sst s7  }
0x10: {  	[smem:$0x3F97] =	sst s8  }
0x11: {  	[smem:$0x3F98] =	sst s9;
	s0 =	simm.s32 @!p0 $0x0  }
0x12: {  	s1 =	sld [smem:$0x3F7E];
	s0 =	simm.s32 @p0 $0x1  }
0x13: {  	[smem:$0x3F99] =	sst s0;
	s0 =	simm.s32 @!p1 $0x0  }
0x14: {  	s2 =	sld [smem:$0x3F7D];
	s0 =	simm.s32 @p1 $0x1  }
0x15: {  	[smem:$0x3F9A] =	sst s0;
	s0 =	simm.s32 @!p2 $0x0  }
0x16: {  	s3 =	sld [smem:$0x3FDB];
	s0 =	simm.s32 @p2 $0x1  }
0x17: {  	s4 =	simm.s32 $0x1BF5;
	[smem:$0x3F9C] =	sst s0  }
0x18: {  	s0 =	sld [smem:$0x3F7F];
	_ =	swait.ge [sflag:s4], $0x0  }
0x19: {  	s7 =	sld [smem:$0x3F80]  }
0x1a: {  	s8 =	sadd.s32 $0xFFFFE003, lr  }
0x1b: {  	s9 =	sadd.s32 $0xFFFFFEF7, lr;
	s5 =	simm.s32 $0xFFFFFFFF;
	p2 =	slt.u32 s8, $0xFFFFF086  }
0x1c: {  	p1 =	slt.u32 s9, $0xF7A;
	s5 =	simm.s32 @!p2 $0x0  }
0x1d: {  	s5 =	simm.s32 @p1 $0x1;
	p0 =	seq.s32 s7, s2  }
0x1e: {  	s7 =	smul.u32 @!p0 $0xF7A, s2;
	p2 =	seq.s32 @!p0 s5, $0x0  }
0x1f: {  	s9 =	smul.u32 $0xF7A, s1;
	s8 =	simm.s32 @!p0 $0x1BF5;
	p2 =	por !p2, p0  }
0x20: {  	[sflag:s8] =	ssyncset.s32 @!p0 $0xFFFFF086;
	s6 =	sadd.s32 @!p0 s3, s7;
	s7 =	simm.s32 @!p0 $0x108  }
0x21: {  	s3 =	sadd.s32 s3, s9;
	s6 =	sadd.s32 @!p0 $0x88, s6;
	s7 =	simm.s32 @p2 $0x1082  }
0x22: {  	[simem:s7], [sflag:s8] =	dma.local @!p0 [hbm:s6], $0xF7A  }
0x23: {  	s9 =	sor.u32 $0xD0000000, s2;
	s6 =	simm.s32 $0x108;
	_ =	swait.ge @!p0 [sflag:s8], $0x0  }
0x24: {  	s3 =	sadd.s32 $0x88, s3;
	s6 =	simm.s32 @!p1 $0x1082;
	[sflag:s4] =	ssyncset.s32 $0xFFFFF086  }
0x25: {  	[simem:s6], [sflag:s4] =	dma.local [hbm:s3], $0xF7A  }
0x26: {  	[smem:$0x3F80] =	sst s1;
	(tag) =	ssettag s2;
	_ =	strace s9  }
0x27: {  	s1 =	sld [smem:$0x3F90]  }
0x28: {  	s2 =	sld [smem:$0x3F91]  }
0x29: {  	s4 =	sld [smem:$0x3F93]  }
0x2a: {  	p0 =	seq.s32 s5, $0x0;
	s5 =	sld [smem:$0x3F94]  }
0x2b: {  	s6 =	sld [smem:$0x3F95]  }
0x2c: {  	s7 =	sld [smem:$0x3F96]  }
0x2d: {  	s3 =	simm.s32 $0x108;
	s8 =	sld [smem:$0x3F97]  }
0x2e: {  	s3 =	simm.s32 @!p0 $0x1082;
	s9 =	sld [smem:$0x3F98]  }
0x2f: {  	lr =	sadd.s32 s0, s3;
	s0 =	sld [smem:$0x3F8F]  }
0x30: {  	s3 =	sld [smem:$0x3F92]  }
0x31: {  	[smem:$0x3F9B] =	sst s10  }
0x32: {  	s10 =	sld [smem:$0x3F99];
	_ =	sdelay $0x3  }
0x33: {  	p0 =	seq.s32 s10, $0x1;
	s10 =	sld [smem:$0x3F9B];
	_ =	sdelay $0x3  }
0x34: {  	[smem:$0x3F9B] =	sst s10  }
0x35: {  	s10 =	sld [smem:$0x3F9A];
	_ =	sdelay $0x3  }
0x36: {  	p1 =	seq.s32 s10, $0x1;
	s10 =	sld [smem:$0x3F9B];
	_ =	sdelay $0x3  }
0x37: {  	[smem:$0x3F9B] =	sst s10  }
0x38: {  	s10 =	sld [smem:$0x3F9C]  }
0x39: {  	_ = 	snop;
	(pc) =	sbr.ind lr, $3  }
0x3a: {  	_ = 	snop  }
0x3b: {  	_ = 	snop  }
0x3c: {  	p2 =	seq.s32 s10, $0x1;
	s10 =	sld [smem:$0x3F9B]  }
0x3d: {  	_ =	shalt  }
0x3e: {  	_ =	shalt  }
0x3f: {  	_ =	shalt  }
0x40: {  	_ =	shalt  }
0x41: {  	_ =	shalt  }
0x42: {  	_ =	shalt  }
0x43: {  	_ =	shalt  }
0x44: {  	_ =	shalt  }
0x45: {  	_ =	shalt  }
0x46: {  	_ =	shalt  }
0x47: {  	_ =	shalt  }
0x48: {  	_ =	shalt  }
0x49: {  	_ =	shalt  }
0x4a: {  	_ =	shalt  }
0x4b: {  	_ =	shalt  }
0x4c: {  	_ =	shalt  }
0x4d: {  	_ =	shalt  }
0x4e: {  	_ =	shalt  }
0x4f: {  	_ =	shalt  }
0x50: {  	_ =	shalt  }
0x51: {  	_ =	shalt  }
0x52: {  	_ =	shalt  }
0x53: {  	_ =	shalt  }
0x54: {  	_ =	shalt  }
0x55: {  	_ =	shalt  }
0x56: {  	_ =	shalt  }
0x57: {  	_ =	shalt  }
0x58: {  	_ =	shalt  }
0x59: {  	_ =	shalt  }
0x5a: {  	_ =	shalt  }
0x5b: {  	_ =	shalt  }
0x5c: {  	_ =	shalt  }
0x5d: {  	_ =	shalt  }
0x5e: {  	_ =	shalt  }
0x5f: {  	_ =	shalt  }
0x60: {  	_ =	shalt  }
0x61: {  	_ =	shalt  }
0x62: {  	_ =	shalt  }
0x63: {  	_ =	shalt  }
0x64: {  	_ =	shalt  }
0x65: {  	_ =	shalt  }
0x66: {  	_ =	shalt  }
0x67: {  	_ =	shalt  }
0x68: {  	_ =	shalt  }
0x69: {  	_ =	shalt  }
0x6a: {  	_ =	shalt  }
0x6b: {  	_ =	shalt  }
0x6c: {  	_ =	shalt  }
0x6d: {  	_ =	shalt  }
0x6e: {  	_ =	shalt  }
0x6f: {  	_ =	shalt  }
0x70: {  	_ =	shalt  }
0x71: {  	_ =	shalt  }
0x72: {  	_ =	shalt  }
0x73: {  	_ =	shalt  }
0x74: {  	_ =	shalt  }
0x75: {  	_ =	shalt  }
0x76: {  	_ =	shalt  }
0x77: {  	_ =	shalt  }
0x78: {  	_ =	shalt  }
0x79: {  	_ =	shalt  }
0x7a: {  	_ =	shalt  }
0x7b: {  	_ =	shalt  }
0x7c: {  	_ =	shalt  }
0x7d: {  	_ =	shalt  }
0x7e: {  	_ =	shalt  }
0x7f: {  	_ =	shalt  }
0x80: {  	_ =	shalt  }
0x81: {  	_ =	shalt  }
0x82: {  	_ =	shalt  }
0x83: {  	_ =	shalt  }
0x84: {  	_ =	shalt  }
0x85: {  	_ =	shalt  }
0x86: {  	_ =	shalt  }
0x87: {  	_ =	shalt  }
.Lfunc_end0:
.L_simem_size_0:
called_computation.3_lowered:
.L_overlay_start_0:
0x88: {  	s2 =	sld [smem:$0x3FD9]  }
0x89: {  	s3 =	sld [smem:$0x3FFE];
	_ =	sdelay $0x1  }
0x8a: {  	s1 =	srdreg.scid  }
0x8b: {  	s0 =	sand.u32 $0x1, s1  }
0x8c: {  	s17 =	sshll.u32 s0, $0xA;
	s2 =	sadd.s32 s3, s2  }
0x8d: {  	s2 =	sadd.s32 s2, s17  }
0x8e: {  	[smem:$0x3FA7] =	sst s2  }
0x8f: {  	_ = 	snop  }
0x90: {  	s18 =	sld [smem:$0x3FD0];
	(tm) =	ssettm $0x1  }
0x91: {  	s19 =	sld [smem:$0x3FFB];
	_ =	sdelay $0x3  }
0x92: {  	_ =	strace s19  }
0x93: {  	s2 =	sld [smem:$0x3FFC];
	_ =	sdelay $0x3  }
0x94: {  	_ =	strace s2  }
0x95: {  	s2 =	sld [smem:$0x3FFD];
	_ =	sdelay $0x3  }
0x96: {  	_ =	strace s2  }
0x97: {  	_ =	strace $0x8FFFFFFF  }
0x98: {  	s20 =	sld [smem:$0x3FDB];
	_ =	sdelay $0x1  }
0x99: {  	s4 =	simm.s32 $_scs_section_size  }
0x9a: {  	s5 =	simm.s32 $_size__tile_overlayer_lowered;
	s6 =	simm.s32 $_tile_overlayer_lowered  }
0x9b: {  	s7 =	simm.s32 $0x1BFF;
	s21 =	sshll.u32 s6, $0x1;
	s4 =	sadd.s32 s4, s20  }
0x9c: {  	s22 =	simm.s32 $0x0;
	s5 =	sshll.u32 s5, $0x1;
	s6 =	sadd.s32 s21, s4  }
0x9d: {  	[timem:s22], [sflag:s7] =	dma.local [hbm:s6], s5  }
0x9e: {  	_ =	swait.ge [sflag:s7], s5  }
0x9f: {  	s5 =	ssub.s32 $0x0, s5;
	[sflag:s7] =	ssyncset.done $0x0  }
0xa0: {  	[sflag:s7] =	ssyncadd.s32 s5;
	_ =	sdelay $0x1  }
0xa1: {  	s23 =	simm.s32 $0x1B8B  }
0xa2: {  	_ =	swait.ge [sflag:s23], $0x1  }
0xa3: {  	[sflag:s23] =	ssyncset.done $0x0  }
0xa4: {  	[sflag:s23] =	ssyncadd.s32 $0xFFFFFFFF  }
0xa5: {  	s5 =	sld [smem:$0x0]  }
0xa6: {  	s6 =	sand.u32 $0xFFFFFFFE, s1  }
0xa7: {  	p0 =	sne.s32 s1, s6  }
0xa8: {  	s6 =	sshll.u32 @p0 s6, $0xE  }
0xa9: {  	s6 =	sadd.s32 @p0 $0x11B8D, s6;
	s7 =	sshll.u32 @p0 s5, $0x11  }
0xaa: {  	s6 =	sor.u32 @p0 s7, s6  }
0xab: {  	[sflag:s6] =	ssyncadd.remote.s32 @p0 $0x1;
	_ =	sdelay $0x1  }
0xac: {  	s6 =	simm.s32 @p0 $0x1B8D  }
0xad: {  	_ =	swait.eq @p0 [sflag:s6], $0x1  }
0xae: {  	[sflag:s6] =	ssyncadd.s32 @p0 $0xFFFFFFFF  }
0xaf: {  	s7 =	sshll.u32 @!p0 s1, $0xE  }
0xb0: {  	s7 =	sor.u32 @!p0 $0x4000, s7;
	s6 =	simm.s32 @!p0 $0x1B8D  }
0xb1: {  	s5 =	sshll.u32 @!p0 s5, $0x11;
	s7 =	sadd.s32 @!p0 $0x11B8D, s7;
	_ =	swait.eq @!p0 [sflag:s6], $0x1  }
0xb2: {  	s5 =	sor.u32 @!p0 s5, s7;
	[sflag:s6] =	ssyncadd.s32 @!p0 $0xFFFFFFFF  }
0xb3: {  	s25 =	simm.s32 $0x1B8E;
	s24 =	sld [smem:$0x3FFE];
	[sflag:s5] =	ssyncadd.remote.s32 @!p0 $0x1  }
0xb4: {  	s26 =	simm.s32 $execute0_lowered;
	[smem:$0x3FD2] =	sst s25  }
0xb5: {  	s6 =	sshll.u32 s26, $0x1;
	_ =	strace $0x8000004F;
	[dreg:$0x1] =	wrdreg $0xFFFFFFFF  }
0xb6: {  	s28 =	simm.s32 $_size_execute0_lowered;
	s4 =	sadd.s32 s4, s6;
	[dreg:$0x0] =	wrdreg $0x0  }
0xb7: {  	s6 =	sshll.u32 s28, $0x1;
	[dreg:$0x2] =	wrdreg s4  }
0xb8: {  	[dreg:$0x3] =	wrdreg s6  }
0xb9: {  	[dreg:$0x4] =	wrdreg $0xC0  }
0xba: {  	_ =	task [dreg:s22], $0x5FFFF  }
0xbb: {  	[dreg:$0x1] =	wrdreg $0xFFFFFFFF  }
0xbc: {  	[dreg:$0x0] =	wrdreg $0x60  }
0xbd: {  	[dreg:$0x2] =	wrdreg s24  }
0xbe: {  	[dreg:$0x3] =	wrdreg s18  }
0xbf: {  	[dreg:$0x4] =	wrdreg $0xA  }
0xc0: {  	_ =	task.clear_ibuf [dreg:s22], $0x5FFFF;
	_ =	strace $0x9000004F  }
0xc1: {  	s29 =	simm.s32 $0xA;
	_ =	strace $0x80000051  }
0xc2: {  	_ =	swait.ge [sflag:s29], $0x1  }
0xc3: {  	[sflag:s29] =	ssyncadd.s32 $0xFFFFFFFF  }
0xc4: {  	_ =	strace $0x90000051  }
0xc5: {  	_ =	sfence  }
0xc6: {  	s30 =	sld [smem:$0x0];
	_ =	sdelay $0x2  }
0xc7: {  	s31 =	sshll.u32 s1, $0xD;
	s1 =	sshrl.u32 s1, $0x2  }
0xc8: {  	s4 =	sand.u32 $0x4000, s31;
	s1 =	sadd.s32 s1, s30  }
0xc9: {  	s0 =	sor.u32 s4, s0;
	s1 =	sshll.u32 s1, $0x11  }
0xca: {  	s0 =	sor.u32 s1, s0  }
0xcb: {  	s0 =	sadd.s32 $0x8F2B, s0  }
0xcc: {  	[sflag:s0] =	ssyncadd.remote.s32 $0x1  }
0xcd: {  	_ =	sfence.sel $0xFFFF  }
0xce: {  	[dreg:$0x0] =	wrdreg $0xFFFFFFFF;
	(pc) =	sbr.abs _section_cstart, $3  }
0xcf: {  	[dreg:$0x1] =	wrdreg $0xFFFFFFFF  }
0xd0: {  	_ =	task.clear_ibuf [dreg:s22], $0x2FFFF;
	_ =	strace $0x9FFFFFFF  }
0xd1: {  	(tm) =	ssettm $0x7FFFFFFF  }
tec
execute0_lowered:
.L_overlay_start_1:
0x0: {  	(tag) =	ssettag $0x1  }
0x1: {  	s0 =	rddreg [dreg:$0x0]  }
0x2: {  	s1 =	rddreg [dreg:$0x1]  }
0x3: {  	s2 =	srdreg.scid;
	s4 =	stileid.u32;
	s18 =	simm.s32 $0x1  }
0x4: {  	s20 =	simm.s32 $0x880;
	s21 =	simm.s32 $0x1080;
	s28 =	simm.s32 $0x4080  }
0x5: {  	s29 =	simm.s32 $0x4880;
	s30 =	simm.s32 $0x5080;
	s31 =	simm.s32 $0x5880  }
0x6: {  	s11 =	simm.s32 $0x7880;
	s12 =	simm.s32 $0x8080;
	s13 =	simm.s32 $0x8880  }
0x7: {  	s14 =	simm.s32 $0x9080;
	s15 =	simm.s32 $0x9880;
	s16 =	simm.s32 $0xA080  }
0x8: {  	s17 =	simm.s32 $0xA880;
	s3 =	sand.u32 $0x1, s2;
	s2 =	simm.s32 $0x0  }
0x9: {  	s4 =	sshll.u32 s4, $0x8;
	s6 =	sadd.s32 $0x80400, s0;
	s5 =	sshll.u32 s3, $0x7  }
0xa: {  	[smem:$0x7FF] =	sst s2;
	s22 =	ssub.s32 $0x2, s3;
	s3 =	sadd.s32 $0x40000, s0  }
0xb: {  	s5 =	sor.u32 s5, s4;
	_ =	strace $0x80000050;
	s7 =	sshrl.u32 s22, $0x1  }
0xc: {  	s4 =	sadd.s32 $0x40100, s0;
	s23 =	sshrl.u32 s5, $0x3;
	s7 =	ssub.s32 s22, s7  }
0xd: {  	s24 =	sshll.u32 s5, $0x7;
	s9 =	sor.u32 $0x40, s5;
	s5 =	sadd.s32 $0x40200, s0  }
0xe: {  	s22 =	simm.s32 $0x1880;
	s8 =	sadd.s32 s6, s23;
	s10 =	sshrl.u32 s9, $0x3  }
0xf: {  	s9 =	sshll.u32 s9, $0x7;
	s7 =	smax.u32 s7, $0x1;
	s23 =	simm.s32 $0x2080  }
0x10: {  	[dreg:$0x3] =	wrdreg s8;
	s8 =	sadd.s32 s1, s24;
	s25 =	sadd.s32 s6, s10  }
0x11: {  	s6 =	sadd.s32 $0x40300, s0;
	s26 =	sadd.s32 s1, s9;
	[dreg:$0x4] =	wrdreg s8  }
0x12: {  	v2 =	vlaneseq.u32;
	s0 =	simm.s32 $0x80;
	s24 =	simm.s32 $0x2880;
	[dreg:$0x5] =	wrdreg s25  }
0x13: {  	vm0 =	vmmov $0xffff;
	v1 =	vshrl.u32 v2, $0x3;
	s10 =	simm.s32 $0x7080;
	s9 =	simm.s32 $0xB080;
	[dreg:$0x6] =	wrdreg s26  }
0x14: {  	v0 =	vand.u32 $0x7, v2;
	v2 =	vor.u32 $0x8, v2;
	v1 =	vmul.u32 $0x8, v1;
	s8 =	simm.s32 $0x2;
	s25 =	simm.s32 $0x3080;
	s26 =	simm.s32 $0x3880  }
.LBB2_1:
0x15: {  	s19 =	rddreg [dreg:$0x3]  }
0x16: {  	[tilespmem:s2], [sflag:$0x2] =	stream.linear.gather [hbm4b:s19+s2], $0x40, $0x38;
	[tilespmem:$0x10080] =	vst v63  }
0x17: {  	_ =	swait.ge [sflag:s8], $0x40  }
0x18: {  	[sflag:s8] =	ssyncset.done $0x0  }
0x19: {  	[sflag:s8] =	ssyncadd.s32 $0xFFFFFFC0  }
0x1a: {  	v3 =	vld [tilespmem:$0x0];
	_ =	sdelay $0x4  }
0x1b: {  	v4 =	vshll.u32 v3, $0x3  }
0x1c: {  	v3 =	vand.u32 $0x7, v3;
	v4 =	vand.u32 $0xFFFFFFC0, v4  }
0x1d: {  	v3 =	vor.u32 v3, v4  }
0x1e: {  	v4 =	vperm.xlane v3, v0;
	_ =	sdelay $0x1  }
0x1f: {  	v4 =	vadd.s32 v1, v4;
	_ =	sdelay $0x4  }
0x20: {  	[tilespmem:s0], [sflag:$0x1] =	stream.indirect_vreg.gather [hbm4b:s3+s2], $0x80, v4, vm0, $0xb8;
	[tilespmem:$0x10080] =	vst v63  }
0x21: {  	v3 =	vperm.xlane v3, v2  }
0x22: {  	[tilespmem:s20], [sflag:$0x1] =	stream.indirect_vreg.gather [hbm4b:s4+s2], $0x80, v4, vm0, $0xb8;
	[tilespmem:$0x10080] =	vst v63  }
0x23: {  	v3 =	vadd.s32 v1, v3  }
0x24: {  	[tilespmem:s21], [sflag:$0x1] =	stream.indirect_vreg.gather [hbm4b:s5+s2], $0x80, v4, vm0, $0xb8;
	[tilespmem:$0x10080] =	vst v63  }
0x25: {  	_ = 	snop  }
0x26: {  	[tilespmem:s22], [sflag:$0x1] =	stream.indirect_vreg.gather [hbm4b:s6+s2], $0x80, v4, vm0, $0xb8;
	[tilespmem:$0x10080] =	vst v63  }
0x27: {  	_ = 	snop  }
0x28: {  	[tilespmem:s23], [sflag:$0x1] =	stream.indirect_vreg.gather [hbm4b:s3+s2], $0x80, v3, vm0, $0xb8;
	[tilespmem:$0x10080] =	vst v63  }
0x29: {  	_ = 	snop  }
0x2a: {  	[tilespmem:s24], [sflag:$0x1] =	stream.indirect_vreg.gather [hbm4b:s4+s2], $0x80, v3, vm0, $0xb8;
	[tilespmem:$0x10080] =	vst v63  }
0x2b: {  	_ = 	snop  }
0x2c: {  	[tilespmem:s25], [sflag:$0x1] =	stream.indirect_vreg.gather [hbm4b:s5+s2], $0x80, v3, vm0, $0xb8;
	[tilespmem:$0x10080] =	vst v63  }
0x2d: {  	_ = 	snop  }
0x2e: {  	[tilespmem:s26], [sflag:$0x1] =	stream.indirect_vreg.gather [hbm4b:s6+s2], $0x80, v3, vm0, $0xb8;
	[tilespmem:$0x10080] =	vst v63  }
0x2f: {  	v3 =	vld [tilespmem:$0x10];
	_ =	sdelay $0x4  }
0x30: {  	v57 =	vshll.u32 v3, $0x3  }
0x31: {  	v3 =	vand.u32 $0x7, v3;
	v4 =	vand.u32 $0xFFFFFFC0, v57  }
0x32: {  	v3 =	vor.u32 v3, v4  }
0x33: {  	v4 =	vperm.xlane v3, v0;
	_ =	sdelay $0x1  }
0x34: {  	v4 =	vadd.s32 v1, v4;
	_ =	sdelay $0x4  }
0x35: {  	[tilespmem:s28], [sflag:$0x1] =	stream.indirect_vreg.gather [hbm4b:s3+s2], $0x80, v4, vm0, $0xb8;
	[tilespmem:$0x10080] =	vst v63  }
0x36: {  	v3 =	vperm.xlane v3, v2  }
0x37: {  	[tilespmem:s29], [sflag:$0x1] =	stream.indirect_vreg.gather [hbm4b:s4+s2], $0x80, v4, vm0, $0xb8;
	[tilespmem:$0x10080] =	vst v63  }
0x38: {  	v3 =	vadd.s32 v1, v3  }
0x39: {  	[tilespmem:s30], [sflag:$0x1] =	stream.indirect_vreg.gather [hbm4b:s5+s2], $0x80, v4, vm0, $0xb8;
	[tilespmem:$0x10080] =	vst v63  }
0x3a: {  	_ = 	snop  }
0x3b: {  	[tilespmem:s31], [sflag:$0x1] =	stream.indirect_vreg.gather [hbm4b:s6+s2], $0x80, v4, vm0, $0xb8;
	[tilespmem:$0x10080] =	vst v63  }
0x3c: {  	s1 =	simm.s32 $0x6080  }
0x3d: {  	[tilespmem:s1], [sflag:$0x1] =	stream.indirect_vreg.gather [hbm4b:s3+s2], $0x80, v3, vm0, $0xb8;
	[tilespmem:$0x10080] =	vst v63  }
0x3e: {  	s1 =	simm.s32 $0x6880  }
0x3f: {  	[tilespmem:s1], [sflag:$0x1] =	stream.indirect_vreg.gather [hbm4b:s4+s2], $0x80, v3, vm0, $0xb8;
	[tilespmem:$0x10080] =	vst v63  }
0x40: {  	_ = 	snop  }
0x41: {  	[tilespmem:s10], [sflag:$0x1] =	stream.indirect_vreg.gather [hbm4b:s5+s2], $0x80, v3, vm0, $0xb8;
	[tilespmem:$0x10080] =	vst v63  }
0x42: {  	_ = 	snop  }
0x43: {  	[tilespmem:s11], [sflag:$0x1] =	stream.indirect_vreg.gather [hbm4b:s6+s2], $0x80, v3, vm0, $0xb8;
	[tilespmem:$0x10080] =	vst v63  }
0x44: {  	v3 =	vld [tilespmem:$0x20];
	_ =	sdelay $0x4  }
0x45: {  	v58 =	vshll.u32 v3, $0x3  }
0x46: {  	v3 =	vand.u32 $0x7, v3;
	v4 =	vand.u32 $0xFFFFFFC0, v58  }
0x47: {  	v3 =	vor.u32 v3, v4  }
0x48: {  	v4 =	vperm.xlane v3, v0;
	_ =	sdelay $0x1  }
0x49: {  	v4 =	vadd.s32 v1, v4;
	_ =	sdelay $0x4  }
0x4a: {  	[tilespmem:s12], [sflag:$0x1] =	stream.indirect_vreg.gather [hbm4b:s3+s2], $0x80, v4, vm0, $0xb8;
	[tilespmem:$0x10080] =	vst v63  }
0x4b: {  	v3 =	vperm.xlane v3, v2  }
0x4c: {  	[tilespmem:s13], [sflag:$0x1] =	stream.indirect_vreg.gather [hbm4b:s4+s2], $0x80, v4, vm0, $0xb8;
	[tilespmem:$0x10080] =	vst v63  }
0x4d: {  	v3 =	vadd.s32 v1, v3  }
0x4e: {  	[tilespmem:s14], [sflag:$0x1] =	stream.indirect_vreg.gather [hbm4b:s5+s2], $0x80, v4, vm0, $0xb8;
	[tilespmem:$0x10080] =	vst v63  }
0x4f: {  	_ = 	snop  }
0x50: {  	[tilespmem:s15], [sflag:$0x1] =	stream.indirect_vreg.gather [hbm4b:s6+s2], $0x80, v4, vm0, $0xb8;
	[tilespmem:$0x10080] =	vst v63  }
0x51: {  	_ = 	snop  }
0x52: {  	[tilespmem:s16], [sflag:$0x1] =	stream.indirect_vreg.gather [hbm4b:s3+s2], $0x80, v3, vm0, $0xb8;
	[tilespmem:$0x10080] =	vst v63  }
0x53: {  	_ = 	snop  }
0x54: {  	[tilespmem:s17], [sflag:$0x1] =	stream.indirect_vreg.gather [hbm4b:s4+s2], $0x80, v3, vm0, $0xb8;
	[tilespmem:$0x10080] =	vst v63  }
0x55: {  	_ = 	snop  }
0x56: {  	[tilespmem:s9], [sflag:$0x1] =	stream.indirect_vreg.gather [hbm4b:s5+s2], $0x80, v3, vm0, $0xb8;
	[tilespmem:$0x10080] =	vst v63  }
0x57: {  	s19 =	simm.s32 $0xB880  }
0x58: {  	[tilespmem:s19], [sflag:$0x1] =	stream.indirect_vreg.gather [hbm4b:s6+s2], $0x80, v3, vm0, $0xb8;
	[tilespmem:$0x10080] =	vst v63  }
0x59: {  	v3 =	vld [tilespmem:$0x30];
	_ =	sdelay $0x4  }
0x5a: {  	v59 =	vshll.u32 v3, $0x3  }
0x5b: {  	v3 =	vand.u32 $0x7, v3;
	v4 =	vand.u32 $0xFFFFFFC0, v59  }
0x5c: {  	v3 =	vor.u32 v3, v4  }
0x5d: {  	v4 =	vperm.xlane v3, v0;
	_ =	sdelay $0x1  }
0x5e: {  	v4 =	vadd.s32 v1, v4;
	_ =	sdelay $0x3  }
0x5f: {  	s19 =	simm.s32 $0xC080  }
0x60: {  	[tilespmem:s19], [sflag:$0x1] =	stream.indirect_vreg.gather [hbm4b:s3+s2], $0x80, v4, vm0, $0xb8;
	[tilespmem:$0x10080] =	vst v63  }
0x61: {  	v3 =	vperm.xlane v3, v2;
	s19 =	simm.s32 $0xC880  }
0x62: {  	[tilespmem:s19], [sflag:$0x1] =	stream.indirect_vreg.gather [hbm4b:s4+s2], $0x80, v4, vm0, $0xb8;
	[tilespmem:$0x10080] =	vst v63  }
0x63: {  	v3 =	vadd.s32 v1, v3;
	s19 =	simm.s32 $0xD080  }
0x64: {  	[tilespmem:s19], [sflag:$0x1] =	stream.indirect_vreg.gather [hbm4b:s5+s2], $0x80, v4, vm0, $0xb8;
	[tilespmem:$0x10080] =	vst v63  }
0x65: {  	s19 =	simm.s32 $0xD880  }
0x66: {  	[tilespmem:s19], [sflag:$0x1] =	stream.indirect_vreg.gather [hbm4b:s6+s2], $0x80, v4, vm0, $0xb8;
	[tilespmem:$0x10080] =	vst v63  }
0x67: {  	s19 =	simm.s32 $0xE080  }
0x68: {  	[tilespmem:s19], [sflag:$0x1] =	stream.indirect_vreg.gather [hbm4b:s3+s2], $0x80, v3, vm0, $0xb8;
	[tilespmem:$0x10080] =	vst v63  }
0x69: {  	s19 =	simm.s32 $0xE880  }
0x6a: {  	[tilespmem:s19], [sflag:$0x1] =	stream.indirect_vreg.gather [hbm4b:s4+s2], $0x80, v3, vm0, $0xb8;
	[tilespmem:$0x10080] =	vst v63  }
0x6b: {  	s19 =	simm.s32 $0xF080  }
0x6c: {  	[tilespmem:s19], [sflag:$0x1] =	stream.indirect_vreg.gather [hbm4b:s5+s2], $0x80, v3, vm0, $0xb8;
	[tilespmem:$0x10080] =	vst v63  }
0x6d: {  	s19 =	simm.s32 $0xF880  }
0x6e: {  	[tilespmem:s19], [sflag:$0x1] =	stream.indirect_vreg.gather [hbm4b:s6+s2], $0x80, v3, vm0, $0xb8;
	[tilespmem:$0x10080] =	vst v63  }
0x6f: {  	_ =	swait.ge [sflag:s18], $0x10000  }
0x70: {  	[sflag:s18] =	ssyncset.done $0x0  }
0x71: {  	s19 =	rddreg [dreg:$0x4];
	[sflag:s18] =	ssyncadd.s32 $0xFFFF0000  }
0x72: {  	[hbm4b:s19+s2] =	stream.linear.scatter [tilespmem:s0], [sflag:$0x2], $0x10000, $0x38;
	[tilespmem:$0x10080] =	vst v63  }
0x73: {  	_ =	swait.ge [sflag:s8], $0x10000  }
0x74: {  	[sflag:s8] =	ssyncset.done $0x0  }
0x75: {  	s19 =	rddreg [dreg:$0x5];
	[sflag:s8] =	ssyncadd.s32 $0xFFFF0000  }
0x76: {  	[tilespmem:s2], [sflag:$0x2] =	stream.linear.gather [hbm4b:s19+s2], $0x40, $0x38;
	[tilespmem:$0x10080] =	vst v63  }
0x77: {  	_ =	swait.ge [sflag:s8], $0x40  }
0x78: {  	[sflag:s8] =	ssyncset.done $0x0  }
0x79: {  	[sflag:s8] =	ssyncadd.s32 $0xFFFFFFC0  }
0x7a: {  	v3 =	vld [tilespmem:$0x0];
	_ =	sdelay $0x4  }
0x7b: {  	v60 =	vshll.u32 v3, $0x3  }
0x7c: {  	v3 =	vand.u32 $0x7, v3;
	v4 =	vand.u32 $0xFFFFFFC0, v60  }
0x7d: {  	v3 =	vor.u32 v3, v4  }
0x7e: {  	v4 =	vperm.xlane v3, v0;
	_ =	sdelay $0x1  }
0x7f: {  	v4 =	vadd.s32 v1, v4;
	_ =	sdelay $0x4  }
0x80: {  	[tilespmem:s0], [sflag:$0x1] =	stream.indirect_vreg.gather [hbm4b:s3+s2], $0x80, v4, vm0, $0xb8;
	[tilespmem:$0x10080] =	vst v63  }
0x81: {  	v3 =	vperm.xlane v3, v2  }
0x82: {  	[tilespmem:s20], [sflag:$0x1] =	stream.indirect_vreg.gather [hbm4b:s4+s2], $0x80, v4, vm0, $0xb8;
	[tilespmem:$0x10080] =	vst v63  }
0x83: {  	v3 =	vadd.s32 v1, v3  }
0x84: {  	[tilespmem:s21], [sflag:$0x1] =	stream.indirect_vreg.gather [hbm4b:s5+s2], $0x80, v4, vm0, $0xb8;
	[tilespmem:$0x10080] =	vst v63  }
0x85: {  	_ = 	snop  }
0x86: {  	[tilespmem:s22], [sflag:$0x1] =	stream.indirect_vreg.gather [hbm4b:s6+s2], $0x80, v4, vm0, $0xb8;
	[tilespmem:$0x10080] =	vst v63  }
0x87: {  	_ = 	snop  }
0x88: {  	[tilespmem:s23], [sflag:$0x1] =	stream.indirect_vreg.gather [hbm4b:s3+s2], $0x80, v3, vm0, $0xb8;
	[tilespmem:$0x10080] =	vst v63  }
0x89: {  	_ = 	snop  }
0x8a: {  	[tilespmem:s24], [sflag:$0x1] =	stream.indirect_vreg.gather [hbm4b:s4+s2], $0x80, v3, vm0, $0xb8;
	[tilespmem:$0x10080] =	vst v63  }
0x8b: {  	_ = 	snop  }
0x8c: {  	[tilespmem:s25], [sflag:$0x1] =	stream.indirect_vreg.gather [hbm4b:s5+s2], $0x80, v3, vm0, $0xb8;
	[tilespmem:$0x10080] =	vst v63  }
0x8d: {  	_ = 	snop  }
0x8e: {  	[tilespmem:s26], [sflag:$0x1] =	stream.indirect_vreg.gather [hbm4b:s6+s2], $0x80, v3, vm0, $0xb8;
	[tilespmem:$0x10080] =	vst v63  }
0x8f: {  	v3 =	vld [tilespmem:$0x10];
	_ =	sdelay $0x4  }
0x90: {  	v61 =	vshll.u32 v3, $0x3  }
0x91: {  	v3 =	vand.u32 $0x7, v3;
	v4 =	vand.u32 $0xFFFFFFC0, v61  }
0x92: {  	v3 =	vor.u32 v3, v4  }
0x93: {  	v4 =	vperm.xlane v3, v0;
	_ =	sdelay $0x1  }
0x94: {  	v4 =	vadd.s32 v1, v4;
	_ =	sdelay $0x4  }
0x95: {  	[tilespmem:s28], [sflag:$0x1] =	stream.indirect_vreg.gather [hbm4b:s3+s2], $0x80, v4, vm0, $0xb8;
	[tilespmem:$0x10080] =	vst v63  }
0x96: {  	v3 =	vperm.xlane v3, v2  }
0x97: {  	[tilespmem:s29], [sflag:$0x1] =	stream.indirect_vreg.gather [hbm4b:s4+s2], $0x80, v4, vm0, $0xb8;
	[tilespmem:$0x10080] =	vst v63  }
0x98: {  	v3 =	vadd.s32 v1, v3  }
0x99: {  	[tilespmem:s30], [sflag:$0x1] =	stream.indirect_vreg.gather [hbm4b:s5+s2], $0x80, v4, vm0, $0xb8;
	[tilespmem:$0x10080] =	vst v63  }
0x9a: {  	_ = 	snop  }
0x9b: {  	[tilespmem:s31], [sflag:$0x1] =	stream.indirect_vreg.gather [hbm4b:s6+s2], $0x80, v4, vm0, $0xb8;
	[tilespmem:$0x10080] =	vst v63  }
0x9c: {  	s19 =	simm.s32 $0x6080  }
0x9d: {  	[tilespmem:s19], [sflag:$0x1] =	stream.indirect_vreg.gather [hbm4b:s3+s2], $0x80, v3, vm0, $0xb8;
	[tilespmem:$0x10080] =	vst v63  }
0x9e: {  	_ = 	snop  }
0x9f: {  	[tilespmem:s1], [sflag:$0x1] =	stream.indirect_vreg.gather [hbm4b:s4+s2], $0x80, v3, vm0, $0xb8;
	[tilespmem:$0x10080] =	vst v63  }
0xa0: {  	_ = 	snop  }
0xa1: {  	[tilespmem:s10], [sflag:$0x1] =	stream.indirect_vreg.gather [hbm4b:s5+s2], $0x80, v3, vm0, $0xb8;
	[tilespmem:$0x10080] =	vst v63  }
0xa2: {  	_ = 	snop  }
0xa3: {  	[tilespmem:s11], [sflag:$0x1] =	stream.indirect_vreg.gather [hbm4b:s6+s2], $0x80, v3, vm0, $0xb8;
	[tilespmem:$0x10080] =	vst v63  }
0xa4: {  	v3 =	vld [tilespmem:$0x20];
	_ =	sdelay $0x4  }
0xa5: {  	v62 =	vshll.u32 v3, $0x3  }
0xa6: {  	v3 =	vand.u32 $0x7, v3;
	v4 =	vand.u32 $0xFFFFFFC0, v62  }
0xa7: {  	v3 =	vor.u32 v3, v4  }
0xa8: {  	v4 =	vperm.xlane v3, v0;
	_ =	sdelay $0x1  }
0xa9: {  	v4 =	vadd.s32 v1, v4;
	_ =	sdelay $0x4  }
0xaa: {  	[tilespmem:s12], [sflag:$0x1] =	stream.indirect_vreg.gather [hbm4b:s3+s2], $0x80, v4, vm0, $0xb8;
	[tilespmem:$0x10080] =	vst v63  }
0xab: {  	v3 =	vperm.xlane v3, v2  }
0xac: {  	[tilespmem:s13], [sflag:$0x1] =	stream.indirect_vreg.gather [hbm4b:s4+s2], $0x80, v4, vm0, $0xb8;
	[tilespmem:$0x10080] =	vst v63  }
0xad: {  	v3 =	vadd.s32 v1, v3  }
0xae: {  	[tilespmem:s14], [sflag:$0x1] =	stream.indirect_vreg.gather [hbm4b:s5+s2], $0x80, v4, vm0, $0xb8;
	[tilespmem:$0x10080] =	vst v63  }
0xaf: {  	_ = 	snop  }
0xb0: {  	[tilespmem:s15], [sflag:$0x1] =	stream.indirect_vreg.gather [hbm4b:s6+s2], $0x80, v4, vm0, $0xb8;
	[tilespmem:$0x10080] =	vst v63  }
0xb1: {  	_ = 	snop  }
0xb2: {  	[tilespmem:s16], [sflag:$0x1] =	stream.indirect_vreg.gather [hbm4b:s3+s2], $0x80, v3, vm0, $0xb8;
	[tilespmem:$0x10080] =	vst v63  }
0xb3: {  	_ = 	snop  }
0xb4: {  	[tilespmem:s17], [sflag:$0x1] =	stream.indirect_vreg.gather [hbm4b:s4+s2], $0x80, v3, vm0, $0xb8;
	[tilespmem:$0x10080] =	vst v63  }
0xb5: {  	_ = 	snop  }
0xb6: {  	[tilespmem:s9], [sflag:$0x1] =	stream.indirect_vreg.gather [hbm4b:s5+s2], $0x80, v3, vm0, $0xb8;
	[tilespmem:$0x10080] =	vst v63  }
0xb7: {  	s19 =	simm.s32 $0xB880  }
0xb8: {  	[tilespmem:s19], [sflag:$0x1] =	stream.indirect_vreg.gather [hbm4b:s6+s2], $0x80, v3, vm0, $0xb8;
	[tilespmem:$0x10080] =	vst v63  }
0xb9: {  	v3 =	vld [tilespmem:$0x30];
	_ =	sdelay $0x4  }
0xba: {  	v63 =	vshll.u32 v3, $0x3  }
0xbb: {  	v3 =	vand.u32 $0x7, v3;
	v4 =	vand.u32 $0xFFFFFFC0, v63  }
0xbc: {  	v3 =	vor.u32 v3, v4  }
0xbd: {  	v4 =	vperm.xlane v3, v0;
	_ =	sdelay $0x1  }
0xbe: {  	v4 =	vadd.s32 v1, v4;
	_ =	sdelay $0x3  }
0xbf: {  	s19 =	simm.s32 $0xC080  }
0xc0: {  	[tilespmem:s19], [sflag:$0x1] =	stream.indirect_vreg.gather [hbm4b:s3+s2], $0x80, v4, vm0, $0xb8;
	[tilespmem:$0x10080] =	vst v63  }
0xc1: {  	v3 =	vperm.xlane v3, v2;
	s19 =	simm.s32 $0xC880  }
0xc2: {  	[tilespmem:s19], [sflag:$0x1] =	stream.indirect_vreg.gather [hbm4b:s4+s2], $0x80, v4, vm0, $0xb8;
	[tilespmem:$0x10080] =	vst v63  }
0xc3: {  	v3 =	vadd.s32 v1, v3;
	s19 =	simm.s32 $0xD080  }
0xc4: {  	[tilespmem:s19], [sflag:$0x1] =	stream.indirect_vreg.gather [hbm4b:s5+s2], $0x80, v4, vm0, $0xb8;
	[tilespmem:$0x10080] =	vst v63  }
0xc5: {  	s19 =	simm.s32 $0xD880  }
0xc6: {  	[tilespmem:s19], [sflag:$0x1] =	stream.indirect_vreg.gather [hbm4b:s6+s2], $0x80, v4, vm0, $0xb8;
	[tilespmem:$0x10080] =	vst v63  }
0xc7: {  	s19 =	simm.s32 $0xE080  }
0xc8: {  	[tilespmem:s19], [sflag:$0x1] =	stream.indirect_vreg.gather [hbm4b:s3+s2], $0x80, v3, vm0, $0xb8;
	[tilespmem:$0x10080] =	vst v63  }
0xc9: {  	s19 =	simm.s32 $0xE880  }
0xca: {  	[tilespmem:s19], [sflag:$0x1] =	stream.indirect_vreg.gather [hbm4b:s4+s2], $0x80, v3, vm0, $0xb8;
	[tilespmem:$0x10080] =	vst v63  }
0xcb: {  	s19 =	simm.s32 $0xF080  }
0xcc: {  	[tilespmem:s19], [sflag:$0x1] =	stream.indirect_vreg.gather [hbm4b:s5+s2], $0x80, v3, vm0, $0xb8;
	[tilespmem:$0x10080] =	vst v63  }
0xcd: {  	s19 =	simm.s32 $0xF880  }
0xce: {  	[tilespmem:s19], [sflag:$0x1] =	stream.indirect_vreg.gather [hbm4b:s6+s2], $0x80, v3, vm0, $0xb8;
	[tilespmem:$0x10080] =	vst v63  }
0xcf: {  	_ =	swait.ge [sflag:s18], $0x10000  }
0xd0: {  	p0 =	sne.s32 s7, $0x1;
	[sflag:s18] =	ssyncset.done $0x0  }
.Ltmp0:
0xd1: {  	s1 =	rddreg [dreg:$0x6];
	[sflag:s18] =	ssyncadd.s32 $0xFFFF0000;
	(pc) =	sbr.rel @p0 .LBB2_1-.Ltmp0, $4  }
0xd2: {  	[hbm4b:s1+s2] =	stream.linear.scatter [tilespmem:s0], [sflag:$0x2], $0x10000, $0x38;
	[tilespmem:$0x10080] =	vst v63  }
0xd3: {  	_ =	swait.ge [sflag:s8], $0x10000  }
0xd4: {  	[sflag:s8] =	ssyncset.done $0x0  }
0xd5: {  	s7 =	sadd.s32 $0xFFFFFFFF, s7;
	[sflag:s8] =	ssyncadd.s32 $0xFFFF0000  }
0xd6: {  	_ =	sfence.sel $0x180000  }
0xd7: {  	[bflag:$0x0] =	sbarrier.arrive $0xFFFF  }
0xd8: {  	_ =	strace $0x90000050  }
0xd9: {  	s0 =	stileid.u32;
	[bflag:$0x2] =	sbarrier.arrive $0xFFFF  }
0xda: {  	p0 =	sne.s32 s0, $0x0;
	s0 =	rddreg [dreg:$0x2]  }
0xdb: {  	s0 =	sadd.s32 @!p0 $0x100000, s0  }
0xdc: {  	[sflag:s0] =	ssyncadd.tile.s32 @!p0 $0x1;
	_ =	shalt  }
.Lfunc_end2:
_tile_overlayer_lowered:
.L_overlay_start_2:
0xdd: {  	(tag) =	ssettag $0x2  }
0xde: {  	s0 =	rddreg [dreg:$0x0];
	s2 =	stileid.u32  }
0xdf: {  	s1 =	rddreg [dreg:$0x1];
	p0 =	sne.s32 s2, $0x0  }
0xe0: {  	s3 =	rddreg [dreg:$0x2];
	[bflag:$0x3] =	sbarrier.arrive $0xFFFF;
	s2 =	simm.s32 @!p0 $0x1C02  }
0xe1: {  	[timem:s3], [sflag:s2] =	dma.local @!p0 [hbm:s0], s1  }
0xe2: {  	s0 =	simm.s32 @!p0 $0x2  }
0xe3: {  	_ =	swait.ge @!p0 [sflag:s0], s1  }
0xe4: {  	s1 =	ssub.s32 @!p0 $0x0, s1;
	[sflag:s0] =	ssyncset.done @!p0 $0x0  }
0xe5: {  	[sflag:s0] =	ssyncadd.s32 @!p0 s1  }
0xe6: {  	[bflag:$0x3] =	sbarrier.arrive $0xFFFF  }
0xe7: {  	_ =	shalt  }

// kernel: kernel.14.cloned.1.call-start
scs
__scs_entry_jumppad:
0x0: {  	(pc) =	sbr.rel $0x88, $3  }
0x1: {  	(tag) =	ssettag $0x0;
	lr =	simm.s32 $0x1  }
0x2: {  	[smem:$0x3F80] =	sst lr;
	_ =	strace $0xD0000000  }
0x3: {  	_ = 	snop  }
0x4: {  	_ = 	snop  }
0x5: {  	_ = 	snop  }
0x6: {  	_ = 	snop  }
0x7: {  	_ = 	snop  }
__scs_overlays_trampoline_lowered:
0x8: {  	[smem:$0x3F8F] =	sst s0  }
0x9: {  	[smem:$0x3F90] =	sst s1  }
0xa: {  	[smem:$0x3F91] =	sst s2  }
0xb: {  	[smem:$0x3F92] =	sst s3  }
0xc: {  	[smem:$0x3F93] =	sst s4  }
0xd: {  	[smem:$0x3F94] =	sst s5  }
0xe: {  	[smem:$0x3F95] =	sst s6  }
0xf: {  	[smem:$0x3F96] =	sst s7  }
0x10: {  	[smem:$0x3F97] =	sst s8  }
0x11: {  	[smem:$0x3F98] =	sst s9;
	s0 =	simm.s32 @!p0 $0x0  }
0x12: {  	s1 =	sld [smem:$0x3F7E];
	s0 =	simm.s32 @p0 $0x1  }
0x13: {  	[smem:$0x3F99] =	sst s0;
	s0 =	simm.s32 @!p1 $0x0  }
0x14: {  	s2 =	sld [smem:$0x3F7D];
	s0 =	simm.s32 @p1 $0x1  }
0x15: {  	[smem:$0x3F9A] =	sst s0;
	s0 =	simm.s32 @!p2 $0x0  }
0x16: {  	s3 =	sld [smem:$0x3FDB];
	s0 =	simm.s32 @p2 $0x1  }
0x17: {  	s4 =	simm.s32 $0x1BF5;
	[smem:$0x3F9C] =	sst s0  }
0x18: {  	s0 =	sld [smem:$0x3F7F];
	_ =	swait.ge [sflag:s4], $0x0  }
0x19: {  	s7 =	sld [smem:$0x3F80]  }
0x1a: {  	s8 =	sadd.s32 $0xFFFFE003, lr  }
0x1b: {  	s9 =	sadd.s32 $0xFFFFFEF7, lr;
	s5 =	simm.s32 $0xFFFFFFFF;
	p2 =	slt.u32 s8, $0xFFFFF086  }
0x1c: {  	p1 =	slt.u32 s9, $0xF7A;
	s5 =	simm.s32 @!p2 $0x0  }
0x1d: {  	s5 =	simm.s32 @p1 $0x1;
	p0 =	seq.s32 s7, s2  }
0x1e: {  	s7 =	smul.u32 @!p0 $0xF7A, s2;
	p2 =	seq.s32 @!p0 s5, $0x0  }
0x1f: {  	s9 =	smul.u32 $0xF7A, s1;
	s8 =	simm.s32 @!p0 $0x1BF5;
	p2 =	por !p2, p0  }
0x20: {  	[sflag:s8] =	ssyncset.s32 @!p0 $0xFFFFF086;
	s6 =	sadd.s32 @!p0 s3, s7;
	s7 =	simm.s32 @!p0 $0x108  }
0x21: {  	s3 =	sadd.s32 s3, s9;
	s6 =	sadd.s32 @!p0 $0x88, s6;
	s7 =	simm.s32 @p2 $0x1082  }
0x22: {  	[simem:s7], [sflag:s8] =	dma.local @!p0 [hbm:s6], $0xF7A  }
0x23: {  	s9 =	sor.u32 $0xD0000000, s2;
	s6 =	simm.s32 $0x108;
	_ =	swait.ge @!p0 [sflag:s8], $0x0  }
0x24: {  	s3 =	sadd.s32 $0x88, s3;
	s6 =	simm.s32 @!p1 $0x1082;
	[sflag:s4] =	ssyncset.s32 $0xFFFFF086  }
0x25: {  	[simem:s6], [sflag:s4] =	dma.local [hbm:s3], $0xF7A  }
0x26: {  	[smem:$0x3F80] =	sst s1;
	(tag) =	ssettag s2;
	_ =	strace s9  }
0x27: {  	s1 =	sld [smem:$0x3F90]  }
0x28: {  	s2 =	sld [smem:$0x3F91]  }
0x29: {  	s4 =	sld [smem:$0x3F93]  }
0x2a: {  	p0 =	seq.s32 s5, $0x0;
	s5 =	sld [smem:$0x3F94]  }
0x2b: {  	s6 =	sld [smem:$0x3F95]  }
0x2c: {  	s7 =	sld [smem:$0x3F96]  }
0x2d: {  	s3 =	simm.s32 $0x108;
	s8 =	sld [smem:$0x3F97]  }
0x2e: {  	s3 =	simm.s32 @!p0 $0x1082;
	s9 =	sld [smem:$0x3F98]  }
0x2f: {  	lr =	sadd.s32 s0, s3;
	s0 =	sld [smem:$0x3F8F]  }
0x30: {  	s3 =	sld [smem:$0x3F92]  }
0x31: {  	[smem:$0x3F9B] =	sst s10  }
0x32: {  	s10 =	sld [smem:$0x3F99];
	_ =	sdelay $0x3  }
0x33: {  	p0 =	seq.s32 s10, $0x1;
	s10 =	sld [smem:$0x3F9B];
	_ =	sdelay $0x3  }
0x34: {  	[smem:$0x3F9B] =	sst s10  }
0x35: {  	s10 =	sld [smem:$0x3F9A];
	_ =	sdelay $0x3  }
0x36: {  	p1 =	seq.s32 s10, $0x1;
	s10 =	sld [smem:$0x3F9B];
	_ =	sdelay $0x3  }
0x37: {  	[smem:$0x3F9B] =	sst s10  }
0x38: {  	s10 =	sld [smem:$0x3F9C]  }
0x39: {  	_ = 	snop;
	(pc) =	sbr.ind lr, $3  }
0x3a: {  	_ = 	snop  }
0x3b: {  	_ = 	snop  }
0x3c: {  	p2 =	seq.s32 s10, $0x1;
	s10 =	sld [smem:$0x3F9B]  }
0x3d: {  	_ =	shalt  }
0x3e: {  	_ =	shalt  }
0x3f: {  	_ =	shalt  }
0x40: {  	_ =	shalt  }
0x41: {  	_ =	shalt  }
0x42: {  	_ =	shalt  }
0x43: {  	_ =	shalt  }
0x44: {  	_ =	shalt  }
0x45: {  	_ =	shalt  }
0x46: {  	_ =	shalt  }
0x47: {  	_ =	shalt  }
0x48: {  	_ =	shalt  }
0x49: {  	_ =	shalt  }
0x4a: {  	_ =	shalt  }
0x4b: {  	_ =	shalt  }
0x4c: {  	_ =	shalt  }
0x4d: {  	_ =	shalt  }
0x4e: {  	_ =	shalt  }
0x4f: {  	_ =	shalt  }
0x50: {  	_ =	shalt  }
0x51: {  	_ =	shalt  }
0x52: {  	_ =	shalt  }
0x53: {  	_ =	shalt  }
0x54: {  	_ =	shalt  }
0x55: {  	_ =	shalt  }
0x56: {  	_ =	shalt  }
0x57: {  	_ =	shalt  }
0x58: {  	_ =	shalt  }
0x59: {  	_ =	shalt  }
0x5a: {  	_ =	shalt  }
0x5b: {  	_ =	shalt  }
0x5c: {  	_ =	shalt  }
0x5d: {  	_ =	shalt  }
0x5e: {  	_ =	shalt  }
0x5f: {  	_ =	shalt  }
0x60: {  	_ =	shalt  }
0x61: {  	_ =	shalt  }
0x62: {  	_ =	shalt  }
0x63: {  	_ =	shalt  }
0x64: {  	_ =	shalt  }
0x65: {  	_ =	shalt  }
0x66: {  	_ =	shalt  }
0x67: {  	_ =	shalt  }
0x68: {  	_ =	shalt  }
0x69: {  	_ =	shalt  }
0x6a: {  	_ =	shalt  }
0x6b: {  	_ =	shalt  }
0x6c: {  	_ =	shalt  }
0x6d: {  	_ =	shalt  }
0x6e: {  	_ =	shalt  }
0x6f: {  	_ =	shalt  }
0x70: {  	_ =	shalt  }
0x71: {  	_ =	shalt  }
0x72: {  	_ =	shalt  }
0x73: {  	_ =	shalt  }
0x74: {  	_ =	shalt  }
0x75: {  	_ =	shalt  }
0x76: {  	_ =	shalt  }
0x77: {  	_ =	shalt  }
0x78: {  	_ =	shalt  }
0x79: {  	_ =	shalt  }
0x7a: {  	_ =	shalt  }
0x7b: {  	_ =	shalt  }
0x7c: {  	_ =	shalt  }
0x7d: {  	_ =	shalt  }
0x7e: {  	_ =	shalt  }
0x7f: {  	_ =	shalt  }
0x80: {  	_ =	shalt  }
0x81: {  	_ =	shalt  }
0x82: {  	_ =	shalt  }
0x83: {  	_ =	shalt  }
0x84: {  	_ =	shalt  }
0x85: {  	_ =	shalt  }
0x86: {  	_ =	shalt  }
0x87: {  	_ =	shalt  }
.Lfunc_end0:
.L_simem_size_0:
called_computation.4_lowered:
.L_overlay_start_0:
0x88: {  	s2 =	sld [smem:$0x3FD9]  }
0x89: {  	s3 =	sld [smem:$0x3FFE];
	_ =	sdelay $0x1  }
0x8a: {  	s1 =	srdreg.scid  }
0x8b: {  	s0 =	sand.u32 $0x1, s1  }
0x8c: {  	s17 =	sshll.u32 s0, $0xA;
	s2 =	sadd.s32 s3, s2  }
0x8d: {  	s2 =	sadd.s32 s2, s17  }
0x8e: {  	[smem:$0x3FA7] =	sst s2  }
0x8f: {  	_ = 	snop  }
0x90: {  	s2 =	sld [smem:$0x3FD0];
	(tm) =	ssettm $0x1  }
0x91: {  	s18 =	sld [smem:$0x3FFB];
	_ =	sdelay $0x3  }
0x92: {  	_ =	strace s18  }
0x93: {  	s3 =	sld [smem:$0x3FFC];
	_ =	sdelay $0x3  }
0x94: {  	_ =	strace s3  }
0x95: {  	s3 =	sld [smem:$0x3FFD];
	_ =	sdelay $0x3  }
0x96: {  	_ =	strace s3  }
0x97: {  	_ =	strace $0x8FFFFFFF  }
0x98: {  	s19 =	sld [smem:$0x3FDB];
	_ =	sdelay $0x1  }
0x99: {  	s4 =	simm.s32 $_scs_section_size  }
0x9a: {  	s5 =	simm.s32 $_size__tile_overlayer_lowered;
	s6 =	simm.s32 $_tile_overlayer_lowered  }
0x9b: {  	s22 =	simm.s32 $0x1BFF;
	s21 =	sshll.u32 s6, $0x1;
	s3 =	sadd.s32 s4, s19  }
0x9c: {  	s7 =	simm.s32 $0x0;
	s20 =	sshll.u32 s5, $0x1;
	s5 =	sadd.s32 s21, s3  }
0x9d: {  	[timem:s7], [sflag:s22] =	dma.local [hbm:s5], s20  }
0x9e: {  	_ =	swait.ge [sflag:s22], s20  }
0x9f: {  	s4 =	ssub.s32 $0x0, s20;
	[sflag:s22] =	ssyncset.done $0x0  }
0xa0: {  	[sflag:s22] =	ssyncadd.s32 s4;
	_ =	sdelay $0x1  }
0xa1: {  	s23 =	simm.s32 $0x1B8B  }
0xa2: {  	_ =	swait.ge [sflag:s23], $0x1  }
0xa3: {  	[sflag:s23] =	ssyncset.done $0x0  }
0xa4: {  	s25 =	simm.s32 $0x1B8E;
	s24 =	sld [smem:$0x3FFE];
	[sflag:s23] =	ssyncadd.s32 $0xFFFFFFFF  }
0xa5: {  	s26 =	simm.s32 $execute0_lowered;
	[smem:$0x3FD2] =	sst s25  }
0xa6: {  	s5 =	sshll.u32 s26, $0x1;
	_ =	strace $0x80000052;
	[dreg:$0x1] =	wrdreg $0xFFFFFFFF  }
0xa7: {  	s28 =	simm.s32 $_size_execute0_lowered;
	s3 =	sadd.s32 s3, s5;
	[dreg:$0x0] =	wrdreg $0x0  }
0xa8: {  	s5 =	sshll.u32 s28, $0x1;
	[dreg:$0x2] =	wrdreg s3  }
0xa9: {  	[dreg:$0x3] =	wrdreg s5  }
0xaa: {  	[dreg:$0x4] =	wrdreg $0xC0  }
0xab: {  	_ =	task [dreg:s7], $0x5FFFF  }
0xac: {  	[dreg:$0x1] =	wrdreg $0xFFFFFFFF  }
0xad: {  	[dreg:$0x0] =	wrdreg $0x60  }
0xae: {  	[dreg:$0x2] =	wrdreg s2  }
0xaf: {  	[dreg:$0x3] =	wrdreg s24  }
0xb0: {  	[dreg:$0x4] =	wrdreg $0x9  }
0xb1: {  	_ =	task.clear_ibuf [dreg:s7], $0x5FFFF;
	_ =	strace $0x90000052  }
0xb2: {  	s29 =	simm.s32 $0x9;
	_ =	strace $0x80000054  }
0xb3: {  	_ =	swait.ge [sflag:s29], $0x1  }
0xb4: {  	[sflag:s29] =	ssyncadd.s32 $0xFFFFFFFF  }
0xb5: {  	_ =	strace $0x90000054  }
0xb6: {  	_ =	sfence  }
0xb7: {  	s30 =	sld [smem:$0x0];
	_ =	sdelay $0x2  }
0xb8: {  	s31 =	sshll.u32 s1, $0xD;
	s1 =	sshrl.u32 s1, $0x2  }
0xb9: {  	s3 =	sand.u32 $0x4000, s31;
	s1 =	sadd.s32 s1, s30  }
0xba: {  	s0 =	sor.u32 s3, s0;
	s1 =	sshll.u32 s1, $0x11  }
0xbb: {  	s0 =	sor.u32 s1, s0  }
0xbc: {  	s0 =	sadd.s32 $0x8F2B, s0  }
0xbd: {  	[sflag:s0] =	ssyncadd.remote.s32 $0x1  }
0xbe: {  	_ =	sfence.sel $0xFFFF  }
0xbf: {  	[dreg:$0x0] =	wrdreg $0xFFFFFFFF;
	(pc) =	sbr.abs _section_cstart, $3  }
0xc0: {  	[dreg:$0x1] =	wrdreg $0xFFFFFFFF  }
0xc1: {  	_ =	task.clear_ibuf [dreg:s7], $0x2FFFF;
	_ =	strace $0x9FFFFFFF  }
0xc2: {  	(tm) =	ssettm $0x7FFFFFFF  }
0xc3: {  	_ =	shalt  }
tec
execute0_lowered:
.L_overlay_start_1:
0x0: {  	(tag) =	ssettag $0x1  }
0x1: {  	s2 =	rddreg [dreg:$0x0]  }
0x2: {  	s0 =	rddreg [dreg:$0x1]  }
0x3: {  	s1 =	srdreg.scid;
	s4 =	stileid.u32;
	s3 =	simm.s32 $0x0  }
0x4: {  	s18 =	simm.s32 $0x1;
	s20 =	simm.s32 $0x880;
	s21 =	simm.s32 $0x1080  }
0x5: {  	s22 =	simm.s32 $0x1880;
	s23 =	simm.s32 $0x2080;
	s24 =	simm.s32 $0x2880  }
0x6: {  	s28 =	simm.s32 $0x4080;
	s29 =	simm.s32 $0x4880;
	s30 =	simm.s32 $0x5080  }
0x7: {  	s31 =	simm.s32 $0x5880;
	s10 =	simm.s32 $0x7080;
	s11 =	simm.s32 $0x7880  }
0x8: {  	s12 =	simm.s32 $0x8080;
	s13 =	simm.s32 $0x8880;
	s14 =	simm.s32 $0x9080  }
0x9: {  	s15 =	simm.s32 $0x9880;
	s16 =	simm.s32 $0xA080;
	s17 =	simm.s32 $0xA880  }
0xa: {  	s1 =	sand.u32 $0x1, s1;
	s4 =	sshll.u32 s4, $0x8;
	[smem:$0x7FF] =	sst s3  }
0xb: {  	s6 =	sadd.s32 $0x81200, s0;
	s5 =	sshll.u32 s1, $0x7;
	s1 =	ssub.s32 $0x2, s1  }
0xc: {  	s0 =	sadd.s32 $0x81400, s0;
	s5 =	sor.u32 s5, s4;
	s7 =	sshrl.u32 s1, $0x1  }
0xd: {  	_ =	strace $0x80000053;
	s4 =	sshrl.u32 s5, $0x3;
	s1 =	ssub.s32 s1, s7  }
0xe: {  	s25 =	sshll.u32 s5, $0x7;
	s8 =	sor.u32 $0x40, s5;
	s5 =	sadd.s32 $0x200, s2  }
0xf: {  	s4 =	sadd.s32 s6, s4;
	s7 =	sadd.s32 s0, s25;
	s9 =	sshrl.u32 s8, $0x3  }
0x10: {  	s8 =	sshll.u32 s8, $0x7;
	s25 =	simm.s32 $0x3080;
	[dreg:$0x3] =	wrdreg s4  }
0x11: {  	s4 =	sadd.s32 $0x100, s2;
	[dreg:$0x4] =	wrdreg s7;
	s26 =	sadd.s32 s6, s9  }
0x12: {  	v2 =	vlaneseq.u32;
	s6 =	sadd.s32 $0x300, s2;
	s0 =	sadd.s32 s0, s8;
	s7 =	smax.u32 s1, $0x1  }
0x13: {  	vm0 =	vmmov $0xffff;
	v1 =	vshrl.u32 v2, $0x3;
	s8 =	simm.s32 $0x2;
	s9 =	simm.s32 $0xB080;
	[dreg:$0x5] =	wrdreg s26  }
0x14: {  	v0 =	vand.u32 $0x7, v2;
	v2 =	vor.u32 $0x8, v2;
	v1 =	vmul.u32 $0x8, v1;
	[dreg:$0x6] =	wrdreg s0;
	s0 =	simm.s32 $0x80;
	s26 =	simm.s32 $0x3880  }
.LBB2_1:
0x15: {  	s19 =	rddreg [dreg:$0x3]  }
0x16: {  	[tilespmem:s3], [sflag:$0x2] =	stream.linear.gather [hbm4b:s19+s3], $0x40, $0x38;
	[tilespmem:$0x10080] =	vst v63  }
0x17: {  	_ =	swait.ge [sflag:s8], $0x40  }
0x18: {  	[sflag:s8] =	ssyncset.done $0x0  }
0x19: {  	[sflag:s8] =	ssyncadd.s32 $0xFFFFFFC0  }
0x1a: {  	v3 =	vld [tilespmem:$0x0];
	_ =	sdelay $0x4  }
0x1b: {  	v4 =	vshll.u32 v3, $0x3  }
0x1c: {  	v3 =	vand.u32 $0x7, v3;
	v4 =	vand.u32 $0xFFFFFFC0, v4  }
0x1d: {  	v3 =	vor.u32 v3, v4  }
0x1e: {  	v4 =	vperm.xlane v3, v0;
	_ =	sdelay $0x1  }
0x1f: {  	v4 =	vadd.s32 v1, v4;
	_ =	sdelay $0x4  }
0x20: {  	[tilespmem:s0], [sflag:$0x1] =	stream.indirect_vreg.gather [hbm4b:s2+s3], $0x80, v4, vm0, $0xb8;
	[tilespmem:$0x10080] =	vst v63  }
0x21: {  	v3 =	vperm.xlane v3, v2  }
0x22: {  	[tilespmem:s20], [sflag:$0x1] =	stream.indirect_vreg.gather [hbm4b:s4+s3], $0x80, v4, vm0, $0xb8;
	[tilespmem:$0x10080] =	vst v63  }
0x23: {  	v3 =	vadd.s32 v1, v3  }
0x24: {  	[tilespmem:s21], [sflag:$0x1] =	stream.indirect_vreg.gather [hbm4b:s5+s3], $0x80, v4, vm0, $0xb8;
	[tilespmem:$0x10080] =	vst v63  }
0x25: {  	_ = 	snop  }
0x26: {  	[tilespmem:s22], [sflag:$0x1] =	stream.indirect_vreg.gather [hbm4b:s6+s3], $0x80, v4, vm0, $0xb8;
	[tilespmem:$0x10080] =	vst v63  }
0x27: {  	_ = 	snop  }
0x28: {  	[tilespmem:s23], [sflag:$0x1] =	stream.indirect_vreg.gather [hbm4b:s2+s3], $0x80, v3, vm0, $0xb8;
	[tilespmem:$0x10080] =	vst v63  }
0x29: {  	_ = 	snop  }
0x2a: {  	[tilespmem:s24], [sflag:$0x1] =	stream.indirect_vreg.gather [hbm4b:s4+s3], $0x80, v3, vm0, $0xb8;
	[tilespmem:$0x10080] =	vst v63  }
0x2b: {  	_ = 	snop  }
0x2c: {  	[tilespmem:s25], [sflag:$0x1] =	stream.indirect_vreg.gather [hbm4b:s5+s3], $0x80, v3, vm0, $0xb8;
	[tilespmem:$0x10080] =	vst v63  }
0x2d: {  	_ = 	snop  }
0x2e: {  	[tilespmem:s26], [sflag:$0x1] =	stream.indirect_vreg.gather [hbm4b:s6+s3], $0x80, v3, vm0, $0xb8;
	[tilespmem:$0x10080] =	vst v63  }
0x2f: {  	v3 =	vld [tilespmem:$0x10];
	_ =	sdelay $0x4  }
0x30: {  	v57 =	vshll.u32 v3, $0x3  }
0x31: {  	v3 =	vand.u32 $0x7, v3;
	v4 =	vand.u32 $0xFFFFFFC0, v57  }
0x32: {  	v3 =	vor.u32 v3, v4  }
0x33: {  	v4 =	vperm.xlane v3, v0;
	_ =	sdelay $0x1  }
0x34: {  	v4 =	vadd.s32 v1, v4;
	_ =	sdelay $0x4  }
0x35: {  	[tilespmem:s28], [sflag:$0x1] =	stream.indirect_vreg.gather [hbm4b:s2+s3], $0x80, v4, vm0, $0xb8;
	[tilespmem:$0x10080] =	vst v63  }
0x36: {  	v3 =	vperm.xlane v3, v2  }
0x37: {  	[tilespmem:s29], [sflag:$0x1] =	stream.indirect_vreg.gather [hbm4b:s4+s3], $0x80, v4, vm0, $0xb8;
	[tilespmem:$0x10080] =	vst v63  }
0x38: {  	v3 =	vadd.s32 v1, v3  }
0x39: {  	[tilespmem:s30], [sflag:$0x1] =	stream.indirect_vreg.gather [hbm4b:s5+s3], $0x80, v4, vm0, $0xb8;
	[tilespmem:$0x10080] =	vst v63  }
0x3a: {  	_ = 	snop  }
0x3b: {  	[tilespmem:s31], [sflag:$0x1] =	stream.indirect_vreg.gather [hbm4b:s6+s3], $0x80, v4, vm0, $0xb8;
	[tilespmem:$0x10080] =	vst v63  }
0x3c: {  	s1 =	simm.s32 $0x6080  }
0x3d: {  	[tilespmem:s1], [sflag:$0x1] =	stream.indirect_vreg.gather [hbm4b:s2+s3], $0x80, v3, vm0, $0xb8;
	[tilespmem:$0x10080] =	vst v63  }
0x3e: {  	s1 =	simm.s32 $0x6880  }
0x3f: {  	[tilespmem:s1], [sflag:$0x1] =	stream.indirect_vreg.gather [hbm4b:s4+s3], $0x80, v3, vm0, $0xb8;
	[tilespmem:$0x10080] =	vst v63  }
0x40: {  	_ = 	snop  }
0x41: {  	[tilespmem:s10], [sflag:$0x1] =	stream.indirect_vreg.gather [hbm4b:s5+s3], $0x80, v3, vm0, $0xb8;
	[tilespmem:$0x10080] =	vst v63  }
0x42: {  	_ = 	snop  }
0x43: {  	[tilespmem:s11], [sflag:$0x1] =	stream.indirect_vreg.gather [hbm4b:s6+s3], $0x80, v3, vm0, $0xb8;
	[tilespmem:$0x10080] =	vst v63  }
0x44: {  	v3 =	vld [tilespmem:$0x20];
	_ =	sdelay $0x4  }
0x45: {  	v58 =	vshll.u32 v3, $0x3  }
0x46: {  	v3 =	vand.u32 $0x7, v3;
	v4 =	vand.u32 $0xFFFFFFC0, v58  }
0x47: {  	v3 =	vor.u32 v3, v4  }
0x48: {  	v4 =	vperm.xlane v3, v0;
	_ =	sdelay $0x1  }
0x49: {  	v4 =	vadd.s32 v1, v4;
	_ =	sdelay $0x4  }
0x4a: {  	[tilespmem:s12], [sflag:$0x1] =	stream.indirect_vreg.gather [hbm4b:s2+s3], $0x80, v4, vm0, $0xb8;
	[tilespmem:$0x10080] =	vst v63  }
0x4b: {  	v3 =	vperm.xlane v3, v2  }
0x4c: {  	[tilespmem:s13], [sflag:$0x1] =	stream.indirect_vreg.gather [hbm4b:s4+s3], $0x80, v4, vm0, $0xb8;
	[tilespmem:$0x10080] =	vst v63  }
0x4d: {  	v3 =	vadd.s32 v1, v3  }
0x4e: {  	[tilespmem:s14], [sflag:$0x1] =	stream.indirect_vreg.gather [hbm4b:s5+s3], $0x80, v4, vm0, $0xb8;
	[tilespmem:$0x10080] =	vst v63  }
0x4f: {  	_ = 	snop  }
0x50: {  	[tilespmem:s15], [sflag:$0x1] =	stream.indirect_vreg.gather [hbm4b:s6+s3], $0x80, v4, vm0, $0xb8;
	[tilespmem:$0x10080] =	vst v63  }
0x51: {  	_ = 	snop  }
0x52: {  	[tilespmem:s16], [sflag:$0x1] =	stream.indirect_vreg.gather [hbm4b:s2+s3], $0x80, v3, vm0, $0xb8;
	[tilespmem:$0x10080] =	vst v63  }
0x53: {  	_ = 	snop  }
0x54: {  	[tilespmem:s17], [sflag:$0x1] =	stream.indirect_vreg.gather [hbm4b:s4+s3], $0x80, v3, vm0, $0xb8;
	[tilespmem:$0x10080] =	vst v63  }
0x55: {  	_ = 	snop  }
0x56: {  	[tilespmem:s9], [sflag:$0x1] =	stream.indirect_vreg.gather [hbm4b:s5+s3], $0x80, v3, vm0, $0xb8;
	[tilespmem:$0x10080] =	vst v63  }
0x57: {  	s19 =	simm.s32 $0xB880  }
0x58: {  	[tilespmem:s19], [sflag:$0x1] =	stream.indirect_vreg.gather [hbm4b:s6+s3], $0x80, v3, vm0, $0xb8;
	[tilespmem:$0x10080] =	vst v63  }
0x59: {  	v3 =	vld [tilespmem:$0x30];
	_ =	sdelay $0x4  }
0x5a: {  	v59 =	vshll.u32 v3, $0x3  }
0x5b: {  	v3 =	vand.u32 $0x7, v3;
	v4 =	vand.u32 $0xFFFFFFC0, v59  }
0x5c: {  	v3 =	vor.u32 v3, v4  }
0x5d: {  	v4 =	vperm.xlane v3, v0;
	_ =	sdelay $0x1  }
0x5e: {  	v4 =	vadd.s32 v1, v4;
	_ =	sdelay $0x3  }
0x5f: {  	s19 =	simm.s32 $0xC080  }
0x60: {  	[tilespmem:s19], [sflag:$0x1] =	stream.indirect_vreg.gather [hbm4b:s2+s3], $0x80, v4, vm0, $0xb8;
	[tilespmem:$0x10080] =	vst v63  }
0x61: {  	v3 =	vperm.xlane v3, v2;
	s19 =	simm.s32 $0xC880  }
0x62: {  	[tilespmem:s19], [sflag:$0x1] =	stream.indirect_vreg.gather [hbm4b:s4+s3], $0x80, v4, vm0, $0xb8;
	[tilespmem:$0x10080] =	vst v63  }
0x63: {  	v3 =	vadd.s32 v1, v3;
	s19 =	simm.s32 $0xD080  }
0x64: {  	[tilespmem:s19], [sflag:$0x1] =	stream.indirect_vreg.gather [hbm4b:s5+s3], $0x80, v4, vm0, $0xb8;
	[tilespmem:$0x10080] =	vst v63  }
0x65: {  	s19 =	simm.s32 $0xD880  }
0x66: {  	[tilespmem:s19], [sflag:$0x1] =	stream.indirect_vreg.gather [hbm4b:s6+s3], $0x80, v4, vm0, $0xb8;
	[tilespmem:$0x10080] =	vst v63  }
0x67: {  	s19 =	simm.s32 $0xE080  }
0x68: {  	[tilespmem:s19], [sflag:$0x1] =	stream.indirect_vreg.gather [hbm4b:s2+s3], $0x80, v3, vm0, $0xb8;
	[tilespmem:$0x10080] =	vst v63  }
0x69: {  	s19 =	simm.s32 $0xE880  }
0x6a: {  	[tilespmem:s19], [sflag:$0x1] =	stream.indirect_vreg.gather [hbm4b:s4+s3], $0x80, v3, vm0, $0xb8;
	[tilespmem:$0x10080] =	vst v63  }
0x6b: {  	s19 =	simm.s32 $0xF080  }
0x6c: {  	[tilespmem:s19], [sflag:$0x1] =	stream.indirect_vreg.gather [hbm4b:s5+s3], $0x80, v3, vm0, $0xb8;
	[tilespmem:$0x10080] =	vst v63  }
0x6d: {  	s19 =	simm.s32 $0xF880  }
0x6e: {  	[tilespmem:s19], [sflag:$0x1] =	stream.indirect_vreg.gather [hbm4b:s6+s3], $0x80, v3, vm0, $0xb8;
	[tilespmem:$0x10080] =	vst v63  }
0x6f: {  	_ =	swait.ge [sflag:s18], $0x10000  }
0x70: {  	[sflag:s18] =	ssyncset.done $0x0  }
0x71: {  	s19 =	rddreg [dreg:$0x4];
	[sflag:s18] =	ssyncadd.s32 $0xFFFF0000  }
0x72: {  	[hbm4b:s19+s3] =	stream.linear.scatter [tilespmem:s0], [sflag:$0x2], $0x10000, $0x38;
	[tilespmem:$0x10080] =	vst v63  }
0x73: {  	_ =	swait.ge [sflag:s8], $0x10000  }
0x74: {  	[sflag:s8] =	ssyncset.done $0x0  }
0x75: {  	s19 =	rddreg [dreg:$0x5];
	[sflag:s8] =	ssyncadd.s32 $0xFFFF0000  }
0x76: {  	[tilespmem:s3], [sflag:$0x2] =	stream.linear.gather [hbm4b:s19+s3], $0x40, $0x38;
	[tilespmem:$0x10080] =	vst v63  }
0x77: {  	_ =	swait.ge [sflag:s8], $0x40  }
0x78: {  	[sflag:s8] =	ssyncset.done $0x0  }
0x79: {  	[sflag:s8] =	ssyncadd.s32 $0xFFFFFFC0  }
0x7a: {  	v3 =	vld [tilespmem:$0x0];
	_ =	sdelay $0x4  }
0x7b: {  	v60 =	vshll.u32 v3, $0x3  }
0x7c: {  	v3 =	vand.u32 $0x7, v3;
	v4 =	vand.u32 $0xFFFFFFC0, v60  }
0x7d: {  	v3 =	vor.u32 v3, v4  }
0x7e: {  	v4 =	vperm.xlane v3, v0;
	_ =	sdelay $0x1  }
0x7f: {  	v4 =	vadd.s32 v1, v4;
	_ =	sdelay $0x4  }
0x80: {  	[tilespmem:s0], [sflag:$0x1] =	stream.indirect_vreg.gather [hbm4b:s2+s3], $0x80, v4, vm0, $0xb8;
	[tilespmem:$0x10080] =	vst v63  }
0x81: {  	v3 =	vperm.xlane v3, v2  }
0x82: {  	[tilespmem:s20], [sflag:$0x1] =	stream.indirect_vreg.gather [hbm4b:s4+s3], $0x80, v4, vm0, $0xb8;
	[tilespmem:$0x10080] =	vst v63  }
0x83: {  	v3 =	vadd.s32 v1, v3  }
0x84: {  	[tilespmem:s21], [sflag:$0x1] =	stream.indirect_vreg.gather [hbm4b:s5+s3], $0x80, v4, vm0, $0xb8;
	[tilespmem:$0x10080] =	vst v63  }
0x85: {  	_ = 	snop  }
0x86: {  	[tilespmem:s22], [sflag:$0x1] =	stream.indirect_vreg.gather [hbm4b:s6+s3], $0x80, v4, vm0, $0xb8;
	[tilespmem:$0x10080] =	vst v63  }
0x87: {  	_ = 	snop  }
0x88: {  	[tilespmem:s23], [sflag:$0x1] =	stream.indirect_vreg.gather [hbm4b:s2+s3], $0x80, v3, vm0, $0xb8;
	[tilespmem:$0x10080] =	vst v63  }
0x89: {  	_ = 	snop  }
0x8a: {  	[tilespmem:s24], [sflag:$0x1] =	stream.indirect_vreg.gather [hbm4b:s4+s3], $0x80, v3, vm0, $0xb8;
	[tilespmem:$0x10080] =	vst v63  }
0x8b: {  	_ = 	snop  }
0x8c: {  	[tilespmem:s25], [sflag:$0x1] =	stream.indirect_vreg.gather [hbm4b:s5+s3], $0x80, v3, vm0, $0xb8;
	[tilespmem:$0x10080] =	vst v63  }
0x8d: {  	_ = 	snop  }
0x8e: {  	[tilespmem:s26], [sflag:$0x1] =	stream.indirect_vreg.gather [hbm4b:s6+s3], $0x80, v3, vm0, $0xb8;
	[tilespmem:$0x10080] =	vst v63  }
0x8f: {  	v3 =	vld [tilespmem:$0x10];
	_ =	sdelay $0x4  }
0x90: {  	v61 =	vshll.u32 v3, $0x3  }
0x91: {  	v3 =	vand.u32 $0x7, v3;
	v4 =	vand.u32 $0xFFFFFFC0, v61  }
0x92: {  	v3 =	vor.u32 v3, v4  }
0x93: {  	v4 =	vperm.xlane v3, v0;
	_ =	sdelay $0x1  }
0x94: {  	v4 =	vadd.s32 v1, v4;
	_ =	sdelay $0x4  }
0x95: {  	[tilespmem:s28], [sflag:$0x1] =	stream.indirect_vreg.gather [hbm4b:s2+s3], $0x80, v4, vm0, $0xb8;
	[tilespmem:$0x10080] =	vst v63  }
0x96: {  	v3 =	vperm.xlane v3, v2  }
0x97: {  	[tilespmem:s29], [sflag:$0x1] =	stream.indirect_vreg.gather [hbm4b:s4+s3], $0x80, v4, vm0, $0xb8;
	[tilespmem:$0x10080] =	vst v63  }
0x98: {  	v3 =	vadd.s32 v1, v3  }
0x99: {  	[tilespmem:s30], [sflag:$0x1] =	stream.indirect_vreg.gather [hbm4b:s5+s3], $0x80, v4, vm0, $0xb8;
	[tilespmem:$0x10080] =	vst v63  }
0x9a: {  	_ = 	snop  }
0x9b: {  	[tilespmem:s31], [sflag:$0x1] =	stream.indirect_vreg.gather [hbm4b:s6+s3], $0x80, v4, vm0, $0xb8;
	[tilespmem:$0x10080] =	vst v63  }
0x9c: {  	s19 =	simm.s32 $0x6080  }
0x9d: {  	[tilespmem:s19], [sflag:$0x1] =	stream.indirect_vreg.gather [hbm4b:s2+s3], $0x80, v3, vm0, $0xb8;
	[tilespmem:$0x10080] =	vst v63  }
0x9e: {  	_ = 	snop  }
0x9f: {  	[tilespmem:s1], [sflag:$0x1] =	stream.indirect_vreg.gather [hbm4b:s4+s3], $0x80, v3, vm0, $0xb8;
	[tilespmem:$0x10080] =	vst v63  }
0xa0: {  	_ = 	snop  }
0xa1: {  	[tilespmem:s10], [sflag:$0x1] =	stream.indirect_vreg.gather [hbm4b:s5+s3], $0x80, v3, vm0, $0xb8;
	[tilespmem:$0x10080] =	vst v63  }
0xa2: {  	_ = 	snop  }
0xa3: {  	[tilespmem:s11], [sflag:$0x1] =	stream.indirect_vreg.gather [hbm4b:s6+s3], $0x80, v3, vm0, $0xb8;
	[tilespmem:$0x10080] =	vst v63  }
0xa4: {  	v3 =	vld [tilespmem:$0x20];
	_ =	sdelay $0x4  }
0xa5: {  	v62 =	vshll.u32 v3, $0x3  }
0xa6: {  	v3 =	vand.u32 $0x7, v3;
	v4 =	vand.u32 $0xFFFFFFC0, v62  }
0xa7: {  	v3 =	vor.u32 v3, v4  }
0xa8: {  	v4 =	vperm.xlane v3, v0;
	_ =	sdelay $0x1  }
0xa9: {  	v4 =	vadd.s32 v1, v4;
	_ =	sdelay $0x4  }
0xaa: {  	[tilespmem:s12], [sflag:$0x1] =	stream.indirect_vreg.gather [hbm4b:s2+s3], $0x80, v4, vm0, $0xb8;
	[tilespmem:$0x10080] =	vst v63  }
0xab: {  	v3 =	vperm.xlane v3, v2  }
0xac: {  	[tilespmem:s13], [sflag:$0x1] =	stream.indirect_vreg.gather [hbm4b:s4+s3], $0x80, v4, vm0, $0xb8;
	[tilespmem:$0x10080] =	vst v63  }
0xad: {  	v3 =	vadd.s32 v1, v3  }
0xae: {  	[tilespmem:s14], [sflag:$0x1] =	stream.indirect_vreg.gather [hbm4b:s5+s3], $0x80, v4, vm0, $0xb8;
	[tilespmem:$0x10080] =	vst v63  }
0xaf: {  	_ = 	snop  }
0xb0: {  	[tilespmem:s15], [sflag:$0x1] =	stream.indirect_vreg.gather [hbm4b:s6+s3], $0x80, v4, vm0, $0xb8;
	[tilespmem:$0x10080] =	vst v63  }
0xb1: {  	_ = 	snop  }
0xb2: {  	[tilespmem:s16], [sflag:$0x1] =	stream.indirect_vreg.gather [hbm4b:s2+s3], $0x80, v3, vm0, $0xb8;
	[tilespmem:$0x10080] =	vst v63  }
0xb3: {  	_ = 	snop  }
0xb4: {  	[tilespmem:s17], [sflag:$0x1] =	stream.indirect_vreg.gather [hbm4b:s4+s3], $0x80, v3, vm0, $0xb8;
	[tilespmem:$0x10080] =	vst v63  }
0xb5: {  	_ = 	snop  }
0xb6: {  	[tilespmem:s9], [sflag:$0x1] =	stream.indirect_vreg.gather [hbm4b:s5+s3], $0x80, v3, vm0, $0xb8;
	[tilespmem:$0x10080] =	vst v63  }
0xb7: {  	s19 =	simm.s32 $0xB880  }
0xb8: {  	[tilespmem:s19], [sflag:$0x1] =	stream.indirect_vreg.gather [hbm4b:s6+s3], $0x80, v3, vm0, $0xb8;
	[tilespmem:$0x10080] =	vst v63  }
0xb9: {  	v3 =	vld [tilespmem:$0x30];
	_ =	sdelay $0x4  }
0xba: {  	v63 =	vshll.u32 v3, $0x3  }
0xbb: {  	v3 =	vand.u32 $0x7, v3;
	v4 =	vand.u32 $0xFFFFFFC0, v63  }
0xbc: {  	v3 =	vor.u32 v3, v4  }
0xbd: {  	v4 =	vperm.xlane v3, v0;
	_ =	sdelay $0x1  }
0xbe: {  	v4 =	vadd.s32 v1, v4;
	_ =	sdelay $0x3  }
0xbf: {  	s19 =	simm.s32 $0xC080  }
0xc0: {  	[tilespmem:s19], [sflag:$0x1] =	stream.indirect_vreg.gather [hbm4b:s2+s3], $0x80, v4, vm0, $0xb8;
	[tilespmem:$0x10080] =	vst v63  }
0xc1: {  	v3 =	vperm.xlane v3, v2;
	s19 =	simm.s32 $0xC880  }
0xc2: {  	[tilespmem:s19], [sflag:$0x1] =	stream.indirect_vreg.gather [hbm4b:s4+s3], $0x80, v4, vm0, $0xb8;
	[tilespmem:$0x10080] =	vst v63  }
0xc3: {  	v3 =	vadd.s32 v1, v3;
	s19 =	simm.s32 $0xD080  }
0xc4: {  	[tilespmem:s19], [sflag:$0x1] =	stream.indirect_vreg.gather [hbm4b:s5+s3], $0x80, v4, vm0, $0xb8;
	[tilespmem:$0x10080] =	vst v63  }
0xc5: {  	s19 =	simm.s32 $0xD880  }
0xc6: {  	[tilespmem:s19], [sflag:$0x1] =	stream.indirect_vreg.gather [hbm4b:s6+s3], $0x80, v4, vm0, $0xb8;
	[tilespmem:$0x10080] =	vst v63  }
0xc7: {  	s19 =	simm.s32 $0xE080  }
0xc8: {  	[tilespmem:s19], [sflag:$0x1] =	stream.indirect_vreg.gather [hbm4b:s2+s3], $0x80, v3, vm0, $0xb8;
	[tilespmem:$0x10080] =	vst v63  }
0xc9: {  	s19 =	simm.s32 $0xE880  }
0xca: {  	[tilespmem:s19], [sflag:$0x1] =	stream.indirect_vreg.gather [hbm4b:s4+s3], $0x80, v3, vm0, $0xb8;
	[tilespmem:$0x10080] =	vst v63  }
0xcb: {  	s19 =	simm.s32 $0xF080  }
0xcc: {  	[tilespmem:s19], [sflag:$0x1] =	stream.indirect_vreg.gather [hbm4b:s5+s3], $0x80, v3, vm0, $0xb8;
	[tilespmem:$0x10080] =	vst v63  }
0xcd: {  	s19 =	simm.s32 $0xF880  }
0xce: {  	[tilespmem:s19], [sflag:$0x1] =	stream.indirect_vreg.gather [hbm4b:s6+s3], $0x80, v3, vm0, $0xb8;
	[tilespmem:$0x10080] =	vst v63  }
0xcf: {  	_ =	swait.ge [sflag:s18], $0x10000  }
0xd0: {  	p0 =	sne.s32 s7, $0x1;
	[sflag:s18] =	ssyncset.done $0x0  }
.Ltmp0:
0xd1: {  	s1 =	rddreg [dreg:$0x6];
	[sflag:s18] =	ssyncadd.s32 $0xFFFF0000;
	(pc) =	sbr.rel @p0 .LBB2_1-.Ltmp0, $4  }
0xd2: {  	[hbm4b:s1+s3] =	stream.linear.scatter [tilespmem:s0], [sflag:$0x2], $0x10000, $0x38;
	[tilespmem:$0x10080] =	vst v63  }
0xd3: {  	_ =	swait.ge [sflag:s8], $0x10000  }
0xd4: {  	[sflag:s8] =	ssyncset.done $0x0  }
0xd5: {  	s7 =	sadd.s32 $0xFFFFFFFF, s7;
	[sflag:s8] =	ssyncadd.s32 $0xFFFF0000  }
0xd6: {  	_ =	sfence.sel $0x180000  }
0xd7: {  	[bflag:$0x0] =	sbarrier.arrive $0xFFFF  }
0xd8: {  	_ =	strace $0x90000053  }
0xd9: {  	s0 =	stileid.u32;
	[bflag:$0x2] =	sbarrier.arrive $0xFFFF  }
0xda: {  	p0 =	sne.s32 s0, $0x0;
	s0 =	rddreg [dreg:$0x2]  }
0xdb: {  	s0 =	sadd.s32 @!p0 $0x100000, s0  }
0xdc: {  	[sflag:s0] =	ssyncadd.tile.s32 @!p0 $0x1;
	_ =	shalt  }
.Lfunc_end2:
_tile_overlayer_lowered:
.L_overlay_start_2:
0xdd: {  	(tag) =	ssettag $0x2  }
0xde: {  	s0 =	rddreg [dreg:$0x0];
	s2 =	stileid.u32  }
0xdf: {  	s1 =	rddreg [dreg:$0x1];
	p0 =	sne.s32 s2, $0x0  }
0xe0: {  	s3 =	rddreg [dreg:$0x2];
	[bflag:$0x3] =	sbarrier.arrive $0xFFFF;
	s2 =	simm.s32 @!p0 $0x1C02  }
0xe1: {  	[timem:s3], [sflag:s2] =	dma.local @!p0 [hbm:s0], s1  }
0xe2: {  	s0 =	simm.s32 @!p0 $0x2  }
0xe3: {  	_ =	swait.ge @!p0 [sflag:s0], s1  }
0xe4: {  	s1 =	ssub.s32 @!p0 $0x0, s1;
	[sflag:s0] =	ssyncset.done @!p0 $0x0  }
0xe5: {  	[sflag:s0] =	ssyncadd.s32 @!p0 s1  }
0xe6: {  	[bflag:$0x3] =	sbarrier.arrive $0xFFFF  }
0xe7: {  	_ =	shalt  }

// kernel: kernel.8.cloned.1.call-start
scs
__scs_entry_jumppad:
0x0: {  	(pc) =	sbr.rel $0x88, $3  }
0x1: {  	(tag) =	ssettag $0x0;
	lr =	simm.s32 $0x1  }
0x2: {  	[smem:$0x3F80] =	sst lr;
	_ =	strace $0xD0000000  }
0x3: {  	_ = 	snop  }
0x4: {  	_ = 	snop  }
0x5: {  	_ = 	snop  }
0x6: {  	_ = 	snop  }
0x7: {  	_ = 	snop  }
__scs_overlays_trampoline_lowered:
0x8: {  	[smem:$0x3F8F] =	sst s0  }
0x9: {  	[smem:$0x3F90] =	sst s1  }
0xa: {  	[smem:$0x3F91] =	sst s2  }
0xb: {  	[smem:$0x3F92] =	sst s3  }
0xc: {  	[smem:$0x3F93] =	sst s4  }
0xd: {  	[smem:$0x3F94] =	sst s5  }
0xe: {  	[smem:$0x3F95] =	sst s6  }
0xf: {  	[smem:$0x3F96] =	sst s7  }
0x10: {  	[smem:$0x3F97] =	sst s8  }
0x11: {  	[smem:$0x3F98] =	sst s9;
	s0 =	simm.s32 @!p0 $0x0  }
0x12: {  	s1 =	sld [smem:$0x3F7E];
	s0 =	simm.s32 @p0 $0x1  }
0x13: {  	[smem:$0x3F99] =	sst s0;
	s0 =	simm.s32 @!p1 $0x0  }
0x14: {  	s2 =	sld [smem:$0x3F7D];
	s0 =	simm.s32 @p1 $0x1  }
0x15: {  	[smem:$0x3F9A] =	sst s0;
	s0 =	simm.s32 @!p2 $0x0  }
0x16: {  	s3 =	sld [smem:$0x3FDB];
	s0 =	simm.s32 @p2 $0x1  }
0x17: {  	s4 =	simm.s32 $0x1BF5;
	[smem:$0x3F9C] =	sst s0  }
0x18: {  	s0 =	sld [smem:$0x3F7F];
	_ =	swait.ge [sflag:s4], $0x0  }
0x19: {  	s7 =	sld [smem:$0x3F80]  }
0x1a: {  	s8 =	sadd.s32 $0xFFFFE003, lr  }
0x1b: {  	s9 =	sadd.s32 $0xFFFFFEF7, lr;
	s5 =	simm.s32 $0xFFFFFFFF;
	p2 =	slt.u32 s8, $0xFFFFF086  }
0x1c: {  	p1 =	slt.u32 s9, $0xF7A;
	s5 =	simm.s32 @!p2 $0x0  }
0x1d: {  	s5 =	simm.s32 @p1 $0x1;
	p0 =	seq.s32 s7, s2  }
0x1e: {  	s7 =	smul.u32 @!p0 $0xF7A, s2;
	p2 =	seq.s32 @!p0 s5, $0x0  }
0x1f: {  	s9 =	smul.u32 $0xF7A, s1;
	s8 =	simm.s32 @!p0 $0x1BF5;
	p2 =	por !p2, p0  }
0x20: {  	[sflag:s8] =	ssyncset.s32 @!p0 $0xFFFFF086;
	s6 =	sadd.s32 @!p0 s3, s7;
	s7 =	simm.s32 @!p0 $0x108  }
0x21: {  	s3 =	sadd.s32 s3, s9;
	s6 =	sadd.s32 @!p0 $0x88, s6;
	s7 =	simm.s32 @p2 $0x1082  }
0x22: {  	[simem:s7], [sflag:s8] =	dma.local @!p0 [hbm:s6], $0xF7A  }
0x23: {  	s9 =	sor.u32 $0xD0000000, s2;
	s6 =	simm.s32 $0x108;
	_ =	swait.ge @!p0 [sflag:s8], $0x0  }
0x24: {  	s3 =	sadd.s32 $0x88, s3;
	s6 =	simm.s32 @!p1 $0x1082;
	[sflag:s4] =	ssyncset.s32 $0xFFFFF086  }
0x25: {  	[simem:s6], [sflag:s4] =	dma.local [hbm:s3], $0xF7A  }
0x26: {  	[smem:$0x3F80] =	sst s1;
	(tag) =	ssettag s2;
	_ =	strace s9  }
0x27: {  	s1 =	sld [smem:$0x3F90]  }
0x28: {  	s2 =	sld [smem:$0x3F91]  }
0x29: {  	s4 =	sld [smem:$0x3F93]  }
0x2a: {  	p0 =	seq.s32 s5, $0x0;
	s5 =	sld [smem:$0x3F94]  }
0x2b: {  	s6 =	sld [smem:$0x3F95]  }
0x2c: {  	s7 =	sld [smem:$0x3F96]  }
0x2d: {  	s3 =	simm.s32 $0x108;
	s8 =	sld [smem:$0x3F97]  }
0x2e: {  	s3 =	simm.s32 @!p0 $0x1082;
	s9 =	sld [smem:$0x3F98]  }
0x2f: {  	lr =	sadd.s32 s0, s3;
	s0 =	sld [smem:$0x3F8F]  }
0x30: {  	s3 =	sld [smem:$0x3F92]  }
0x31: {  	[smem:$0x3F9B] =	sst s10  }
0x32: {  	s10 =	sld [smem:$0x3F99];
	_ =	sdelay $0x3  }
0x33: {  	p0 =	seq.s32 s10, $0x1;
	s10 =	sld [smem:$0x3F9B];
	_ =	sdelay $0x3  }
0x34: {  	[smem:$0x3F9B] =	sst s10  }
0x35: {  	s10 =	sld [smem:$0x3F9A];
	_ =	sdelay $0x3  }
0x36: {  	p1 =	seq.s32 s10, $0x1;
	s10 =	sld [smem:$0x3F9B];
	_ =	sdelay $0x3  }
0x37: {  	[smem:$0x3F9B] =	sst s10  }
0x38: {  	s10 =	sld [smem:$0x3F9C]  }
0x39: {  	_ = 	snop;
	(pc) =	sbr.ind lr, $3  }
0x3a: {  	_ = 	snop  }
0x3b: {  	_ = 	snop  }
0x3c: {  	p2 =	seq.s32 s10, $0x1;
	s10 =	sld [smem:$0x3F9B]  }
0x3d: {  	_ =	shalt  }
0x3e: {  	_ =	shalt  }
0x3f: {  	_ =	shalt  }
0x40: {  	_ =	shalt  }
0x41: {  	_ =	shalt  }
0x42: {  	_ =	shalt  }
0x43: {  	_ =	shalt  }
0x44: {  	_ =	shalt  }
0x45: {  	_ =	shalt  }
0x46: {  	_ =	shalt  }
0x47: {  	_ =	shalt  }
0x48: {  	_ =	shalt  }
0x49: {  	_ =	shalt  }
0x4a: {  	_ =	shalt  }
0x4b: {  	_ =	shalt  }
0x4c: {  	_ =	shalt  }
0x4d: {  	_ =	shalt  }
0x4e: {  	_ =	shalt  }
0x4f: {  	_ =	shalt  }
0x50: {  	_ =	shalt  }
0x51: {  	_ =	shalt  }
0x52: {  	_ =	shalt  }
0x53: {  	_ =	shalt  }
0x54: {  	_ =	shalt  }
0x55: {  	_ =	shalt  }
0x56: {  	_ =	shalt  }
0x57: {  	_ =	shalt  }
0x58: {  	_ =	shalt  }
0x59: {  	_ =	shalt  }
0x5a: {  	_ =	shalt  }
0x5b: {  	_ =	shalt  }
0x5c: {  	_ =	shalt  }
0x5d: {  	_ =	shalt  }
0x5e: {  	_ =	shalt  }
0x5f: {  	_ =	shalt  }
0x60: {  	_ =	shalt  }
0x61: {  	_ =	shalt  }
0x62: {  	_ =	shalt  }
0x63: {  	_ =	shalt  }
0x64: {  	_ =	shalt  }
0x65: {  	_ =	shalt  }
0x66: {  	_ =	shalt  }
0x67: {  	_ =	shalt  }
0x68: {  	_ =	shalt  }
0x69: {  	_ =	shalt  }
0x6a: {  	_ =	shalt  }
0x6b: {  	_ =	shalt  }
0x6c: {  	_ =	shalt  }
0x6d: {  	_ =	shalt  }
0x6e: {  	_ =	shalt  }
0x6f: {  	_ =	shalt  }
0x70: {  	_ =	shalt  }
0x71: {  	_ =	shalt  }
0x72: {  	_ =	shalt  }
0x73: {  	_ =	shalt  }
0x74: {  	_ =	shalt  }
0x75: {  	_ =	shalt  }
0x76: {  	_ =	shalt  }
0x77: {  	_ =	shalt  }
0x78: {  	_ =	shalt  }
0x79: {  	_ =	shalt  }
0x7a: {  	_ =	shalt  }
0x7b: {  	_ =	shalt  }
0x7c: {  	_ =	shalt  }
0x7d: {  	_ =	shalt  }
0x7e: {  	_ =	shalt  }
0x7f: {  	_ =	shalt  }
0x80: {  	_ =	shalt  }
0x81: {  	_ =	shalt  }
0x82: {  	_ =	shalt  }
0x83: {  	_ =	shalt  }
0x84: {  	_ =	shalt  }
0x85: {  	_ =	shalt  }
0x86: {  	_ =	shalt  }
0x87: {  	_ =	shalt  }
.Lfunc_end0:
.L_simem_size_0:
called_computation.2_lowered:
.L_overlay_start_0:
0x88: {  	s2 =	sld [smem:$0x3FD9]  }
0x89: {  	s3 =	sld [smem:$0x3FFE];
	_ =	sdelay $0x1  }
0x8a: {  	s1 =	srdreg.scid  }
0x8b: {  	s0 =	sand.u32 $0x1, s1  }
0x8c: {  	s17 =	sshll.u32 s0, $0xA;
	s2 =	sadd.s32 s3, s2  }
0x8d: {  	s2 =	sadd.s32 s2, s17  }
0x8e: {  	[smem:$0x3FA7] =	sst s2  }
0x8f: {  	_ = 	snop  }
0x90: {  	s2 =	sld [smem:$0x3FC9]  }
0x91: {  	s18 =	sld [smem:$0x3FA9];
	(tm) =	ssettm $0x1  }
0x92: {  	s4 =	sld [smem:$0x3FFB];
	_ =	sdelay $0x3  }
0x93: {  	_ =	strace s4  }
0x94: {  	s4 =	sld [smem:$0x3FFC];
	_ =	sdelay $0x3  }
0x95: {  	_ =	strace s4  }
0x96: {  	s4 =	sld [smem:$0x3FFD];
	_ =	sdelay $0x3  }
0x97: {  	_ =	strace s4  }
0x98: {  	_ =	strace $0x8FFFFFFF  }
0x99: {  	s19 =	sld [smem:$0x3FDB];
	_ =	sdelay $0x1  }
0x9a: {  	s5 =	simm.s32 $_scs_section_size  }
0x9b: {  	s6 =	simm.s32 $_size__tile_overlayer_lowered;
	s7 =	simm.s32 $_tile_overlayer_lowered  }
0x9c: {  	s22 =	simm.s32 $0x1BFF;
	s21 =	sshll.u32 s7, $0x1;
	s4 =	sadd.s32 s5, s19  }
0x9d: {  	s8 =	simm.s32 $0x0;
	s20 =	sshll.u32 s6, $0x1;
	s6 =	sadd.s32 s21, s4  }
0x9e: {  	[timem:s8], [sflag:s22] =	dma.local [hbm:s6], s20  }
0x9f: {  	_ =	swait.ge [sflag:s22], s20  }
0xa0: {  	s5 =	ssub.s32 $0x0, s20;
	[sflag:s22] =	ssyncset.done $0x0  }
0xa1: {  	[sflag:s22] =	ssyncadd.s32 s5;
	_ =	sdelay $0x1  }
0xa2: {  	s23 =	simm.s32 $0x1B8B  }
0xa3: {  	_ =	swait.ge [sflag:s23], $0x1  }
0xa4: {  	[sflag:s23] =	ssyncset.done $0x0  }
0xa5: {  	s25 =	simm.s32 $0x1B8E;
	s24 =	sld [smem:$0x3FFE];
	[sflag:s23] =	ssyncadd.s32 $0xFFFFFFFF  }
0xa6: {  	s26 =	simm.s32 $execute0_lowered;
	[smem:$0x3FD2] =	sst s25  }
0xa7: {  	s6 =	sshll.u32 s26, $0x1;
	_ =	strace $0x80000046;
	[dreg:$0x1] =	wrdreg $0xFFFFFFFF  }
0xa8: {  	s28 =	simm.s32 $_size_execute0_lowered;
	s4 =	sadd.s32 s4, s6;
	[dreg:$0x0] =	wrdreg $0x0  }
0xa9: {  	s6 =	sshll.u32 s28, $0x1;
	[dreg:$0x2] =	wrdreg s4  }
0xaa: {  	[dreg:$0x3] =	wrdreg s6  }
0xab: {  	[dreg:$0x4] =	wrdreg $0xC0  }
0xac: {  	_ =	task [dreg:s8], $0x5FFFF  }
0xad: {  	[dreg:$0x1] =	wrdreg $0xFFFFFFFF  }
0xae: {  	[dreg:$0x0] =	wrdreg $0x60  }
0xaf: {  	[dreg:$0x2] =	wrdreg s2  }
0xb0: {  	[dreg:$0x3] =	wrdreg s18  }
0xb1: {  	[dreg:$0x4] =	wrdreg s24  }
0xb2: {  	[dreg:$0x5] =	wrdreg $0x9  }
0xb3: {  	_ =	task.clear_ibuf [dreg:s8], $0x6FFFF;
	_ =	strace $0x90000046  }
0xb4: {  	s29 =	simm.s32 $0x9;
	_ =	strace $0x80000048  }
0xb5: {  	_ =	swait.ge [sflag:s29], $0x1  }
0xb6: {  	[sflag:s29] =	ssyncadd.s32 $0xFFFFFFFF  }
0xb7: {  	_ =	strace $0x90000048  }
0xb8: {  	_ =	sfence  }
0xb9: {  	s30 =	sld [smem:$0x0];
	_ =	sdelay $0x2  }
0xba: {  	s31 =	sshll.u32 s1, $0xD;
	s1 =	sshrl.u32 s1, $0x2  }
0xbb: {  	s3 =	sand.u32 $0x4000, s31;
	s1 =	sadd.s32 s1, s30  }
0xbc: {  	s0 =	sor.u32 s3, s0;
	s1 =	sshll.u32 s1, $0x11  }
0xbd: {  	s0 =	sor.u32 s1, s0  }
0xbe: {  	s0 =	sadd.s32 $0x8F2B, s0  }
0xbf: {  	[sflag:s0] =	ssyncadd.remote.s32 $0x1  }
0xc0: {  	_ =	sfence.sel $0xFFFF  }
0xc1: {  	[dreg:$0x0] =	wrdreg $0xFFFFFFFF;
	(pc) =	sbr.abs _section_cstart, $3  }
0xc2: {  	[dreg:$0x1] =	wrdreg $0xFFFFFFFF  }
0xc3: {  	_ =	task.clear_ibuf [dreg:s8], $0x2FFFF;
	_ =	strace $0x9FFFFFFF  }
0xc4: {  	(tm) =	ssettm $0x7FFFFFFF  }
0xc5: {  	_ =	shalt  }
tec
execute0_lowered:
.L_overlay_start_1:
0x0: {  	(tag) =	ssettag $0x1  }
0x1: {  	s1 =	rddreg [dreg:$0x0]  }
0x2: {  	s2 =	srdreg.scid;
	s4 =	rddreg [dreg:$0x1]  }
0x3: {  	s0 =	stileid.u32;
	s5 =	rddreg [dreg:$0x2]  }
0x4: {  	s3 =	simm.s32 $0x0;
	s17 =	simm.s32 $0x880;
	s18 =	simm.s32 $0x1080  }
0x5: {  	s19 =	simm.s32 $0x1880;
	s21 =	simm.s32 $0x2080;
	s22 =	simm.s32 $0x2880  }
0x6: {  	s23 =	simm.s32 $0x3080;
	s24 =	simm.s32 $0x3880;
	[smem:$0x7FF] =	sst s3  }
0x7: {  	s8 =	simm.s32 $0x4080;
	_ =	strace $0x80000047;
	[dreg:$0x6] =	wrdreg s17  }
0x8: {  	s25 =	simm.s32 $0x4880;
	s26 =	simm.s32 $0x5080;
	[dreg:$0x7] =	wrdreg s18  }
0x9: {  	s9 =	simm.s32 $0x80;
	s11 =	simm.s32 $0x6080;
	[dreg:$0x8] =	wrdreg s19  }
0xa: {  	s12 =	simm.s32 $0x6880;
	s13 =	simm.s32 $0x7080;
	[dreg:$0x9] =	wrdreg s21  }
0xb: {  	s14 =	simm.s32 $0x7880;
	s15 =	simm.s32 $0x8080;
	[dreg:$0xa] =	wrdreg s22  }
0xc: {  	s28 =	simm.s32 $0xE080;
	s29 =	simm.s32 $0xE880;
	[dreg:$0xb] =	wrdreg s23  }
0xd: {  	s30 =	simm.s32 $0xF080;
	s31 =	simm.s32 $0xF880;
	[dreg:$0xc] =	wrdreg s24  }
0xe: {  	s2 =	sand.u32 $0x1, s2;
	s6 =	sshll.u32 s0, $0x7;
	[dreg:$0xd] =	wrdreg s8  }
0xf: {  	s7 =	sshll.u32 s2, $0x6;
	s2 =	ssub.s32 $0x2, s2;
	[dreg:$0xe] =	wrdreg s25  }
0x10: {  	s8 =	simm.s32 $0x2;
	[dreg:$0xf] =	wrdreg s26;
	s17 =	simm.s32 $0x9080  }
0x11: {  	s18 =	simm.s32 $0x9880;
	s19 =	simm.s32 $0xA080;
	s21 =	simm.s32 $0xB080  }
0x12: {  	s22 =	simm.s32 $0xB880;
	s23 =	simm.s32 $0xC080;
	s24 =	simm.s32 $0xC880  }
0x13: {  	s25 =	simm.s32 $0xD080;
	s26 =	simm.s32 $0xD880;
	s6 =	sor.u32 s7, s6  }
0x14: {  	s20 =	sshrl.u32 s2, $0x1;
	s7 =	sshrl.u32 s6, $0x3;
	s6 =	sshll.u32 s6, $0x7  }
0x15: {  	s2 =	ssub.s32 s2, s20;
	s20 =	simm.s32 $0xA880;
	s4 =	sadd.s32 s4, s7  }
0x16: {  	v2 =	vlaneseq.u32;
	s16 =	sadd.s32 s5, s6;
	s5 =	sadd.s32 $0x200, s1;
	s6 =	sadd.s32 $0x300, s1  }
0x17: {  	vm0 =	vmmov $0xffff;
	v1 =	vshrl.u32 v2, $0x3;
	s7 =	smax.u32 s2, $0x1;
	s2 =	simm.s32 $0x1;
	[dreg:$0x4] =	wrdreg s4  }
0x18: {  	v0 =	vand.u32 $0x7, v2;
	v2 =	vor.u32 $0x8, v2;
	v1 =	vmul.u32 $0x8, v1;
	[dreg:$0x5] =	wrdreg s16;
	s4 =	sadd.s32 $0x100, s1;
	s16 =	simm.s32 $0x8880  }
.LBB2_1:
0x19: {  	s0 =	rddreg [dreg:$0x4]  }
0x1a: {  	[tilespmem:s3], [sflag:$0x2] =	stream.linear.gather [hbm4b:s0+s3], $0x40, $0x38;
	[tilespmem:$0x10080] =	vst v63  }
0x1b: {  	_ =	swait.ge [sflag:s8], $0x40  }
0x1c: {  	[sflag:s8] =	ssyncset.done $0x0  }
0x1d: {  	[sflag:s8] =	ssyncadd.s32 $0xFFFFFFC0  }
0x1e: {  	v3 =	vld [tilespmem:$0x0];
	_ =	sdelay $0x4  }
0x1f: {  	v4 =	vshll.u32 v3, $0x3  }
0x20: {  	v3 =	vand.u32 $0x7, v3;
	v4 =	vand.u32 $0xFFFFFFC0, v4  }
0x21: {  	v3 =	vor.u32 v3, v4  }
0x22: {  	v4 =	vperm.xlane v3, v0;
	_ =	sdelay $0x1  }
0x23: {  	v4 =	vadd.s32 v1, v4;
	_ =	sdelay $0x4  }
0x24: {  	[tilespmem:s9], [sflag:$0x1] =	stream.indirect_vreg.gather [hbm4b:s1+s3], $0x80, v4, vm0, $0xb8;
	[tilespmem:$0x10080] =	vst v63  }
0x25: {  	s0 =	rddreg [dreg:$0x6];
	v3 =	vperm.xlane v3, v2  }
0x26: {  	[tilespmem:s0], [sflag:$0x1] =	stream.indirect_vreg.gather [hbm4b:s4+s3], $0x80, v4, vm0, $0xb8;
	[tilespmem:$0x10080] =	vst v63  }
0x27: {  	s10 =	rddreg [dreg:$0x7];
	v3 =	vadd.s32 v1, v3  }
0x28: {  	[tilespmem:s10], [sflag:$0x1] =	stream.indirect_vreg.gather [hbm4b:s5+s3], $0x80, v4, vm0, $0xb8;
	[tilespmem:$0x10080] =	vst v63  }
0x29: {  	s0 =	rddreg [dreg:$0x8]  }
0x2a: {  	[tilespmem:s0], [sflag:$0x1] =	stream.indirect_vreg.gather [hbm4b:s6+s3], $0x80, v4, vm0, $0xb8;
	[tilespmem:$0x10080] =	vst v63  }
0x2b: {  	s10 =	rddreg [dreg:$0x9]  }
0x2c: {  	[tilespmem:s10], [sflag:$0x1] =	stream.indirect_vreg.gather [hbm4b:s1+s3], $0x80, v3, vm0, $0xb8;
	[tilespmem:$0x10080] =	vst v63  }
0x2d: {  	s0 =	rddreg [dreg:$0xa]  }
0x2e: {  	[tilespmem:s0], [sflag:$0x1] =	stream.indirect_vreg.gather [hbm4b:s4+s3], $0x80, v3, vm0, $0xb8;
	[tilespmem:$0x10080] =	vst v63  }
0x2f: {  	s10 =	rddreg [dreg:$0xb]  }
0x30: {  	[tilespmem:s10], [sflag:$0x1] =	stream.indirect_vreg.gather [hbm4b:s5+s3], $0x80, v3, vm0, $0xb8;
	[tilespmem:$0x10080] =	vst v63  }
0x31: {  	s0 =	rddreg [dreg:$0xc]  }
0x32: {  	[tilespmem:s0], [sflag:$0x1] =	stream.indirect_vreg.gather [hbm4b:s6+s3], $0x80, v3, vm0, $0xb8;
	[tilespmem:$0x10080] =	vst v63  }
0x33: {  	v3 =	vld [tilespmem:$0x10];
	_ =	sdelay $0x4  }
0x34: {  	v61 =	vshll.u32 v3, $0x3  }
0x35: {  	v3 =	vand.u32 $0x7, v3;
	v4 =	vand.u32 $0xFFFFFFC0, v61  }
0x36: {  	v3 =	vor.u32 v3, v4  }
0x37: {  	v4 =	vperm.xlane v3, v0;
	_ =	sdelay $0x1  }
0x38: {  	v4 =	vadd.s32 v1, v4;
	_ =	sdelay $0x3  }
0x39: {  	s0 =	rddreg [dreg:$0xd]  }
0x3a: {  	[tilespmem:s0], [sflag:$0x1] =	stream.indirect_vreg.gather [hbm4b:s1+s3], $0x80, v4, vm0, $0xb8;
	[tilespmem:$0x10080] =	vst v63  }
0x3b: {  	s10 =	rddreg [dreg:$0xe];
	v3 =	vperm.xlane v3, v2  }
0x3c: {  	[tilespmem:s10], [sflag:$0x1] =	stream.indirect_vreg.gather [hbm4b:s4+s3], $0x80, v4, vm0, $0xb8;
	[tilespmem:$0x10080] =	vst v63  }
0x3d: {  	v3 =	vadd.s32 v1, v3;
	s0 =	rddreg [dreg:$0xf]  }
0x3e: {  	[tilespmem:s0], [sflag:$0x1] =	stream.indirect_vreg.gather [hbm4b:s5+s3], $0x80, v4, vm0, $0xb8;
	[tilespmem:$0x10080] =	vst v63  }
0x3f: {  	s10 =	simm.s32 $0x5880  }
0x40: {  	[tilespmem:s10], [sflag:$0x1] =	stream.indirect_vreg.gather [hbm4b:s6+s3], $0x80, v4, vm0, $0xb8;
	[tilespmem:$0x10080] =	vst v63  }
0x41: {  	_ = 	snop  }
0x42: {  	[tilespmem:s11], [sflag:$0x1] =	stream.indirect_vreg.gather [hbm4b:s1+s3], $0x80, v3, vm0, $0xb8;
	[tilespmem:$0x10080] =	vst v63  }
0x43: {  	_ = 	snop  }
0x44: {  	[tilespmem:s12], [sflag:$0x1] =	stream.indirect_vreg.gather [hbm4b:s4+s3], $0x80, v3, vm0, $0xb8;
	[tilespmem:$0x10080] =	vst v63  }
0x45: {  	_ = 	snop  }
0x46: {  	[tilespmem:s13], [sflag:$0x1] =	stream.indirect_vreg.gather [hbm4b:s5+s3], $0x80, v3, vm0, $0xb8;
	[tilespmem:$0x10080] =	vst v63  }
0x47: {  	_ = 	snop  }
0x48: {  	[tilespmem:s14], [sflag:$0x1] =	stream.indirect_vreg.gather [hbm4b:s6+s3], $0x80, v3, vm0, $0xb8;
	[tilespmem:$0x10080] =	vst v63  }
0x49: {  	v3 =	vld [tilespmem:$0x20];
	_ =	sdelay $0x4  }
0x4a: {  	v62 =	vshll.u32 v3, $0x3  }
0x4b: {  	v3 =	vand.u32 $0x7, v3;
	v4 =	vand.u32 $0xFFFFFFC0, v62  }
0x4c: {  	v3 =	vor.u32 v3, v4  }
0x4d: {  	v4 =	vperm.xlane v3, v0;
	_ =	sdelay $0x1  }
0x4e: {  	v4 =	vadd.s32 v1, v4;
	_ =	sdelay $0x4  }
0x4f: {  	[tilespmem:s15], [sflag:$0x1] =	stream.indirect_vreg.gather [hbm4b:s1+s3], $0x80, v4, vm0, $0xb8;
	[tilespmem:$0x10080] =	vst v63  }
0x50: {  	v3 =	vperm.xlane v3, v2  }
0x51: {  	[tilespmem:s16], [sflag:$0x1] =	stream.indirect_vreg.gather [hbm4b:s4+s3], $0x80, v4, vm0, $0xb8;
	[tilespmem:$0x10080] =	vst v63  }
0x52: {  	v3 =	vadd.s32 v1, v3  }
0x53: {  	[tilespmem:s17], [sflag:$0x1] =	stream.indirect_vreg.gather [hbm4b:s5+s3], $0x80, v4, vm0, $0xb8;
	[tilespmem:$0x10080] =	vst v63  }
0x54: {  	_ = 	snop  }
0x55: {  	[tilespmem:s18], [sflag:$0x1] =	stream.indirect_vreg.gather [hbm4b:s6+s3], $0x80, v4, vm0, $0xb8;
	[tilespmem:$0x10080] =	vst v63  }
0x56: {  	_ = 	snop  }
0x57: {  	[tilespmem:s19], [sflag:$0x1] =	stream.indirect_vreg.gather [hbm4b:s1+s3], $0x80, v3, vm0, $0xb8;
	[tilespmem:$0x10080] =	vst v63  }
0x58: {  	_ = 	snop  }
0x59: {  	[tilespmem:s20], [sflag:$0x1] =	stream.indirect_vreg.gather [hbm4b:s4+s3], $0x80, v3, vm0, $0xb8;
	[tilespmem:$0x10080] =	vst v63  }
0x5a: {  	_ = 	snop  }
0x5b: {  	[tilespmem:s21], [sflag:$0x1] =	stream.indirect_vreg.gather [hbm4b:s5+s3], $0x80, v3, vm0, $0xb8;
	[tilespmem:$0x10080] =	vst v63  }
0x5c: {  	_ = 	snop  }
0x5d: {  	[tilespmem:s22], [sflag:$0x1] =	stream.indirect_vreg.gather [hbm4b:s6+s3], $0x80, v3, vm0, $0xb8;
	[tilespmem:$0x10080] =	vst v63  }
0x5e: {  	v3 =	vld [tilespmem:$0x30];
	_ =	sdelay $0x4  }
0x5f: {  	v63 =	vshll.u32 v3, $0x3  }
0x60: {  	v3 =	vand.u32 $0x7, v3;
	v4 =	vand.u32 $0xFFFFFFC0, v63  }
0x61: {  	v3 =	vor.u32 v3, v4  }
0x62: {  	v4 =	vperm.xlane v3, v0;
	_ =	sdelay $0x1  }
0x63: {  	v4 =	vadd.s32 v1, v4;
	_ =	sdelay $0x4  }
0x64: {  	[tilespmem:s23], [sflag:$0x1] =	stream.indirect_vreg.gather [hbm4b:s1+s3], $0x80, v4, vm0, $0xb8;
	[tilespmem:$0x10080] =	vst v63  }
0x65: {  	v3 =	vperm.xlane v3, v2  }
0x66: {  	[tilespmem:s24], [sflag:$0x1] =	stream.indirect_vreg.gather [hbm4b:s4+s3], $0x80, v4, vm0, $0xb8;
	[tilespmem:$0x10080] =	vst v63  }
0x67: {  	v3 =	vadd.s32 v1, v3  }
0x68: {  	[tilespmem:s25], [sflag:$0x1] =	stream.indirect_vreg.gather [hbm4b:s5+s3], $0x80, v4, vm0, $0xb8;
	[tilespmem:$0x10080] =	vst v63  }
0x69: {  	_ = 	snop  }
0x6a: {  	[tilespmem:s26], [sflag:$0x1] =	stream.indirect_vreg.gather [hbm4b:s6+s3], $0x80, v4, vm0, $0xb8;
	[tilespmem:$0x10080] =	vst v63  }
0x6b: {  	_ = 	snop  }
0x6c: {  	[tilespmem:s28], [sflag:$0x1] =	stream.indirect_vreg.gather [hbm4b:s1+s3], $0x80, v3, vm0, $0xb8;
	[tilespmem:$0x10080] =	vst v63  }
0x6d: {  	_ = 	snop  }
0x6e: {  	[tilespmem:s29], [sflag:$0x1] =	stream.indirect_vreg.gather [hbm4b:s4+s3], $0x80, v3, vm0, $0xb8;
	[tilespmem:$0x10080] =	vst v63  }
0x6f: {  	_ = 	snop  }
0x70: {  	[tilespmem:s30], [sflag:$0x1] =	stream.indirect_vreg.gather [hbm4b:s5+s3], $0x80, v3, vm0, $0xb8;
	[tilespmem:$0x10080] =	vst v63  }
0x71: {  	_ = 	snop  }
0x72: {  	[tilespmem:s31], [sflag:$0x1] =	stream.indirect_vreg.gather [hbm4b:s6+s3], $0x80, v3, vm0, $0xb8;
	[tilespmem:$0x10080] =	vst v63  }
0x73: {  	_ =	swait.ge [sflag:s2], $0x10000  }
0x74: {  	p0 =	sne.s32 s7, $0x1;
	[sflag:s2] =	ssyncset.done $0x0  }
.Ltmp0:
0x75: {  	s10 =	rddreg [dreg:$0x5];
	[sflag:s2] =	ssyncadd.s32 $0xFFFF0000;
	(pc) =	sbr.rel @p0 .LBB2_1-.Ltmp0, $4  }
0x76: {  	[hbm4b:s10+s3] =	stream.linear.scatter [tilespmem:s9], [sflag:$0x2], $0x10000, $0x38;
	[tilespmem:$0x10080] =	vst v63  }
0x77: {  	_ =	swait.ge [sflag:s8], $0x10000  }
0x78: {  	[sflag:s8] =	ssyncset.done $0x0  }
0x79: {  	s7 =	sadd.s32 $0xFFFFFFFF, s7;
	[sflag:s8] =	ssyncadd.s32 $0xFFFF0000  }
0x7a: {  	_ =	sfence.sel $0x180000  }
0x7b: {  	[bflag:$0x0] =	sbarrier.arrive $0xFFFF  }
0x7c: {  	_ =	strace $0x90000047  }
0x7d: {  	s0 =	stileid.u32;
	[bflag:$0x2] =	sbarrier.arrive $0xFFFF  }
0x7e: {  	p0 =	sne.s32 s0, $0x0;
	s0 =	rddreg [dreg:$0x3]  }
0x7f: {  	s0 =	sadd.s32 @!p0 $0x100000, s0  }
0x80: {  	[sflag:s0] =	ssyncadd.tile.s32 @!p0 $0x1;
	_ =	shalt  }
.Lfunc_end2:
_tile_overlayer_lowered:
.L_overlay_start_2:
0x81: {  	(tag) =	ssettag $0x2  }
0x82: {  	s0 =	rddreg [dreg:$0x0];
	s2 =	stileid.u32  }
0x83: {  	s1 =	rddreg [dreg:$0x1];
	p0 =	sne.s32 s2, $0x0  }
0x84: {  	s3 =	rddreg [dreg:$0x2];
	[bflag:$0x3] =	sbarrier.arrive $0xFFFF;
	s2 =	simm.s32 @!p0 $0x1C02  }
0x85: {  	[timem:s3], [sflag:s2] =	dma.local @!p0 [hbm:s0], s1  }
0x86: {  	s0 =	simm.s32 @!p0 $0x2  }
0x87: {  	_ =	swait.ge @!p0 [sflag:s0], s1  }
0x88: {  	s1 =	ssub.s32 @!p0 $0x0, s1;
	[sflag:s0] =	ssyncset.done @!p0 $0x0  }
0x89: {  	[sflag:s0] =	ssyncadd.s32 @!p0 s1  }
0x8a: {  	[bflag:$0x3] =	sbarrier.arrive $0xFFFF  }
0x8b: {  	_ =	shalt  }

</sc_bundles>
